<compile_context>
chip_gen: v7x
topology: tpu7x:2x2x1
jax: 0.10.2.dev20260603
libtpu: 0.0.44.dev20260713+nightly
codegen_flags: <defaults>
</compile_context>

<pallas_src>
import functools

import jax
import jax.numpy as jnp
from jax import lax
from jax.experimental import pallas as pl
from jax.experimental.pallas import tpu as pltpu
from jax.experimental.pallas import tpu_sc as plsc

N_NODES = 10000
N_EDGES = 320000
F_IN = 128
H1 = 100
H1P = 128
H1H = 64
H2 = 16
E_LP = 100000
PI_D = 25

NC = 2
NS = 16
NW = NC * NS
CHUNK = 128

EDGE_PW = N_EDGES // NW
KC_EDGE = -(-EDGE_PW // CHUNK)
EDGE_PW_PAD = KC_EDGE * CHUNK

LP_PW = E_LP // NW
KC_LP = -(-LP_PW // CHUNK)
LP_PW_PAD = KC_LP * CHUNK
E_LP_PAD = LP_PW_PAD * NW

NPAD = 10112
ROWS_PT = NPAD // NS

ROW_BLK = 2000
LP_BLK = 5000


def _sc_mesh():
    return plsc.VectorSubcoreMesh(core_axis_name="c", subcore_axis_name="s")


@functools.partial(
    pl.kernel,
    out_type=jax.ShapeDtypeStruct((NC, NPAD, H2), jnp.float32),
    mesh=_sc_mesh(),
    compiler_params=pltpu.CompilerParams(use_tc_tiling_on_sc=False),
    scratch_types=[
        pltpu.VMEM((KC_EDGE, CHUNK), jnp.int32),
        pltpu.VMEM((CHUNK, H2), jnp.float32),
        pltpu.VMEM_SHARED((NPAD, H2), jnp.float32),
    ],
)
def _sc_degree(dst_hbm, ones_hbm, zeros_hbm, out_hbm, dst_v, ones_v, acc):
    c = lax.axis_index("c")
    s = lax.axis_index("s")
    w = s * NC + c
    pltpu.sync_copy(zeros_hbm, acc.at[pl.ds(s * ROWS_PT, ROWS_PT)])
    pltpu.sync_copy(dst_hbm.at[w], dst_v)
    pltpu.sync_copy(ones_hbm, ones_v)
    plsc.subcore_barrier()

    def body(j, carry):
        pltpu.sync_copy(ones_v, acc.at[dst_v.at[j]], add=True)
        return carry

    lax.fori_loop(0, KC_EDGE, body, 0)
    plsc.subcore_barrier()
    pltpu.sync_copy(acc.at[pl.ds(s * ROWS_PT, ROWS_PT)],
                    out_hbm.at[c, pl.ds(s * ROWS_PT, ROWS_PT)])


NROWS_STAGE = N_NODES // NS


def _make_sc_agg_staged(d):
    @functools.partial(
        pl.kernel,
        out_type=jax.ShapeDtypeStruct((NC, NPAD, d), jnp.float32),
        mesh=_sc_mesh(),
        compiler_params=pltpu.CompilerParams(use_tc_tiling_on_sc=False),
        scratch_types=[
            pltpu.VMEM((KC_EDGE, CHUNK), jnp.int32),
            pltpu.VMEM((KC_EDGE, CHUNK), jnp.int32),
            pltpu.VMEM((CHUNK, d), jnp.float32),
            pltpu.VMEM_SHARED((N_NODES, d), jnp.float32),
            pltpu.VMEM_SHARED((NPAD, d), jnp.float32),
            pltpu.SemaphoreType.DMA,
        ],
    )
    def agg(tbl_hbm, src_hbm, dst_hbm, zeros_hbm, out_hbm,
            src_v, dst_v, buf, tbl_s, acc, sem):
        c = lax.axis_index("c")
        s = lax.axis_index("s")
        w = s * NC + c
        pltpu.sync_copy(zeros_hbm, acc.at[pl.ds(s * ROWS_PT, ROWS_PT)])
        pltpu.sync_copy(tbl_hbm.at[pl.ds(s * NROWS_STAGE, NROWS_STAGE)],
                        tbl_s.at[pl.ds(s * NROWS_STAGE, NROWS_STAGE)])
        pltpu.sync_copy(src_hbm.at[w], src_v)
        pltpu.sync_copy(dst_hbm.at[w], dst_v)
        plsc.subcore_barrier()

        def body(j, carry):
            pltpu.async_copy(tbl_s.at[src_v.at[j]], buf, sem).wait()
            pltpu.sync_copy(buf, acc.at[dst_v.at[j]], add=True)
            return carry

        lax.fori_loop(0, KC_EDGE, body, 0)
        plsc.subcore_barrier()
        pltpu.sync_copy(acc.at[pl.ds(s * ROWS_PT, ROWS_PT)],
                        out_hbm.at[c, pl.ds(s * ROWS_PT, ROWS_PT)])

    return agg


_sc_agg_h1h = _make_sc_agg_staged(H1H)


_sc_agg_h2 = _make_sc_agg_staged(H2)


@functools.partial(
    pl.kernel,
    out_type=jax.ShapeDtypeStruct((E_LP_PAD, H2), jnp.float32),
    mesh=_sc_mesh(),
    compiler_params=pltpu.CompilerParams(use_tc_tiling_on_sc=False),
    scratch_types=[
        pltpu.VMEM((KC_LP, CHUNK), jnp.int32),
        pltpu.VMEM((KC_LP, CHUNK), jnp.int32),
        pltpu.VMEM((CHUNK, H2), jnp.float32),
        pltpu.VMEM((CHUNK, H2), jnp.float32),
        pltpu.VMEM((CHUNK, H2), jnp.float32),
        pltpu.VMEM_SHARED((N_NODES, H2), jnp.float32),
        pltpu.SemaphoreType.DMA,
        pltpu.SemaphoreType.DMA,
    ],
)
def _sc_lp_sqdist(emb_hbm, a_hbm, b_hbm, out_hbm,
                  a_v, b_v, bufa, bufb, bufd, emb_s, sema, semb):
    c = lax.axis_index("c")
    s = lax.axis_index("s")
    w = s * NC + c
    base = w * LP_PW_PAD
    pltpu.sync_copy(emb_hbm.at[pl.ds(s * NROWS_STAGE, NROWS_STAGE)],
                    emb_s.at[pl.ds(s * NROWS_STAGE, NROWS_STAGE)])
    pltpu.sync_copy(a_hbm.at[w], a_v)
    pltpu.sync_copy(b_hbm.at[w], b_v)
    plsc.subcore_barrier()

    def body(j, carry):
        cpa = pltpu.async_copy(emb_s.at[a_v.at[j]], bufa, sema)
        cpb = pltpu.async_copy(emb_s.at[b_v.at[j]], bufb, semb)
        cpa.wait()
        cpb.wait()

        def row(r, cc):
            dv = bufa[r] - bufb[r]
            bufd[r] = dv * dv
            return cc

        lax.fori_loop(0, CHUNK, row, 0)
        pltpu.sync_copy(bufd, out_hbm.at[pl.ds(base + j * CHUNK, CHUNK)])
        return carry

    lax.fori_loop(0, KC_LP, body, 0)


def _deg_dinv(parts):
    deg = parts[0, :, 0] + parts[1, :, 0] + 1.0
    return lax.rsqrt(jnp.maximum(deg, 1.0))


def _tc_encode1_body(degp_ref, x_ref, w1_ref, oa_ref, ob_ref):
    dinv = _deg_dinv(degp_ref[...])
    hw = jnp.dot(x_ref[...], w1_ref[...], preferred_element_type=jnp.float32)
    g = hw * dinv[:, None]
    oa_ref[...] = g[:, :H1H]
    ob_ref[...] = g[:, H1H:]


def _tc_encode2_body(degp_ref, accpa_ref, accpb_ref, g1a_ref, g1b_ref,
                     w2_ref, b1_ref, o_ref):
    dinv = _deg_dinv(degp_ref[...])
    a = jnp.concatenate(
        [accpa_ref[0] + accpa_ref[1] + g1a_ref[...],
         accpb_ref[0] + accpb_ref[1] + g1b_ref[...]], axis=-1)
    h = jnp.maximum(a * dinv[:, None] + b1_ref[...], 0.0)
    o_ref[...] = jnp.dot(h, w2_ref[...],
                         preferred_element_type=jnp.float32) * dinv[:, None]


def _tc_emb_body(degp_ref, accp_ref, g2_ref, b2_ref, o_ref):
    dinv = _deg_dinv(degp_ref[...])
    a = accp_ref[0] + accp_ref[1] + g2_ref[...]
    emb = jnp.maximum(a * dinv[:, None] + b2_ref[...], 0.0)
    nrm = jnp.sqrt(jnp.sum(emb * emb, axis=1, keepdims=True))
    scale = jnp.where(nrm > 1.0, 1.0 / (nrm + 1e-7), 1.0)
    o_ref[...] = emb * scale


def _tc_decode_body(sq_ref, pi_ref, wa_ref, wb_ref, bl1_ref, wl_ref,
                    bl_ref, o_ref):
    z = (jnp.dot(sq_ref[...], wa_ref[...], preferred_element_type=jnp.float32)
         + jnp.dot(pi_ref[...], wb_ref[...], preferred_element_type=jnp.float32)
         + bl1_ref[...])
    z = jnp.where(z > 0, z, 0.2 * z)
    sv = jnp.dot(z, wl_ref[...], preferred_element_type=jnp.float32)[:, 0]
    s = jnp.clip(jnp.abs(sv + bl_ref[0, 0]), 0.0, 40.0)
    o_ref[...] = (1.0 / (jnp.exp(s - 2.0) + 1.0))[:, None]


def kernel(x, edge_index, lp_edges, PI, W1, b1, W2, b2, Wl1, bl1, Wl, bl):
    f32 = jnp.float32
    src = edge_index[0]
    dst = edge_index[1]
    pad = EDGE_PW_PAD - EDGE_PW
    srcm = jnp.pad(src.reshape(NW, EDGE_PW), ((0, 0), (0, pad))
                   ).reshape(NW, KC_EDGE, CHUNK)
    dstm = jnp.pad(dst.reshape(NW, EDGE_PW), ((0, 0), (0, pad)),
                   constant_values=N_NODES).reshape(NW, KC_EDGE, CHUNK)
    lpa = jnp.pad(lp_edges[:, 0], (0, E_LP_PAD - E_LP)
                  ).reshape(NW, KC_LP, CHUNK)
    lpb = jnp.pad(lp_edges[:, 1], (0, E_LP_PAD - E_LP)
                  ).reshape(NW, KC_LP, CHUNK)

    ones_blk = jnp.ones((CHUNK, H2), f32)
    zeros_h2 = jnp.zeros((ROWS_PT, H2), f32)
    zeros_h1h = jnp.zeros((ROWS_PT, H1H), f32)

    W1p = jnp.pad(W1, ((0, 0), (0, H1P - H1)))
    W2p = jnp.pad(W2, ((0, H1P - H1), (0, 0)))
    b1p = jnp.pad(b1, (0, H1P - H1)).reshape(1, H1P)

    deg_parts = _sc_degree(dstm, ones_blk, zeros_h2)
    degp = deg_parts[:, :N_NODES, :]

    g1a, g1b = pl.pallas_call(
        _tc_encode1_body,
        grid=(N_NODES // ROW_BLK,),
        in_specs=[
            pl.BlockSpec((2, ROW_BLK, H2), lambda i: (0, i, 0)),
            pl.BlockSpec((ROW_BLK, F_IN), lambda i: (i, 0)),
            pl.BlockSpec((F_IN, H1P), lambda i: (0, 0)),
        ],
        out_specs=[pl.BlockSpec((ROW_BLK, H1H), lambda i: (i, 0)),
                   pl.BlockSpec((ROW_BLK, H1H), lambda i: (i, 0))],
        out_shape=[jax.ShapeDtypeStruct((N_NODES, H1H), f32),
                   jax.ShapeDtypeStruct((N_NODES, H1H), f32)],
    )(degp, x, W1p)

    acc1a = _sc_agg_h1h(g1a, srcm, dstm, zeros_h1h)
    acc1b = _sc_agg_h1h(g1b, srcm, dstm, zeros_h1h)

    g2 = pl.pallas_call(
        _tc_encode2_body,
        grid=(N_NODES // ROW_BLK,),
        in_specs=[
            pl.BlockSpec((2, ROW_BLK, H2), lambda i: (0, i, 0)),
            pl.BlockSpec((2, ROW_BLK, H1H), lambda i: (0, i, 0)),
            pl.BlockSpec((2, ROW_BLK, H1H), lambda i: (0, i, 0)),
            pl.BlockSpec((ROW_BLK, H1H), lambda i: (i, 0)),
            pl.BlockSpec((ROW_BLK, H1H), lambda i: (i, 0)),
            pl.BlockSpec((H1P, H2), lambda i: (0, 0)),
            pl.BlockSpec((1, H1P), lambda i: (0, 0)),
        ],
        out_specs=pl.BlockSpec((ROW_BLK, H2), lambda i: (i, 0)),
        out_shape=jax.ShapeDtypeStruct((N_NODES, H2), f32),
    )(degp, acc1a[:, :N_NODES, :], acc1b[:, :N_NODES, :], g1a, g1b,
      W2p, b1p)

    acc2 = _sc_agg_h2(g2, srcm, dstm, zeros_h2)

    emb = pl.pallas_call(
        _tc_emb_body,
        grid=(N_NODES // ROW_BLK,),
        in_specs=[
            pl.BlockSpec((2, ROW_BLK, H2), lambda i: (0, i, 0)),
            pl.BlockSpec((2, ROW_BLK, H2), lambda i: (0, i, 0)),
            pl.BlockSpec((ROW_BLK, H2), lambda i: (i, 0)),
            pl.BlockSpec((1, H2), lambda i: (0, 0)),
        ],
        out_specs=pl.BlockSpec((ROW_BLK, H2), lambda i: (i, 0)),
        out_shape=jax.ShapeDtypeStruct((N_NODES, H2), f32),
    )(degp, acc2[:, :N_NODES, :], g2, b2.reshape(1, H2))

    sq = _sc_lp_sqdist(emb, lpa, lpb)

    prob = pl.pallas_call(
        _tc_decode_body,
        grid=(E_LP // LP_BLK,),
        in_specs=[
            pl.BlockSpec((LP_BLK, H2), lambda i: (i, 0)),
            pl.BlockSpec((LP_BLK, PI_D), lambda i: (i, 0)),
            pl.BlockSpec((H2, PI_D), lambda i: (0, 0)),
            pl.BlockSpec((PI_D, PI_D), lambda i: (0, 0)),
            pl.BlockSpec((1, PI_D), lambda i: (0, 0)),
            pl.BlockSpec((PI_D, 1), lambda i: (0, 0)),
            pl.BlockSpec((1, 1), lambda i: (0, 0)),
        ],
        out_specs=pl.BlockSpec((LP_BLK, 1), lambda i: (i, 0)),
        out_shape=jax.ShapeDtypeStruct((E_LP, 1), f32),
    )(sq[:E_LP], PI, Wl1[:H2], Wl1[H2:], bl1.reshape(1, PI_D), Wl,
      bl.reshape(1, 1))
    return prob.reshape(-1)

# --- scband reference (transcript-rebuilt; emitter-appended) ---
"""Pipeline reference for scband-net-41807211659639 (READ-ONLY COPY).

The authoritative reference and input builder live on the scoring server;
editing this copy changes nothing except your own understanding.
"""

import jax, jax.numpy as jnp
import numpy as np

N = 10000        # n_nodes
E = 320000       # n_edges
F_IN = 128       # num_features
H1 = 100         # conv1 out
H2 = 16          # conv2 out
E_LP = 100000    # candidate link-prediction edges
PI_D = 25        # dimension*dimension persistence image features


def setup_inputs(seed: int = 0) -> dict:
    key = jax.random.key(seed)
    ks = jax.random.split(key, 12)
    x = jax.random.normal(ks[0], (N, F_IN), dtype=jnp.float32)
    edge_index = jax.random.randint(ks[1], (2, E), 0, N, dtype=jnp.int32)
    lp_edges = jax.random.randint(ks[2], (E_LP, 2), 0, N, dtype=jnp.int32)
    PI = jax.random.uniform(ks[3], (E_LP, PI_D), dtype=jnp.float32)
    # GCN layer params
    W1 = jax.random.normal(ks[4], (F_IN, H1), dtype=jnp.float32) * 0.05
    b1 = jnp.zeros((H1,), dtype=jnp.float32)
    W2 = jax.random.normal(ks[5], (H1, H2), dtype=jnp.float32) * 0.1
    b2 = jnp.zeros((H2,), dtype=jnp.float32)
    # decoder MLP params: linear_1 maps (d*d + 16) -> d*d ; linear maps d*d -> 1
    Wl1 = jax.random.normal(ks[6], (H2 + PI_D, PI_D), dtype=jnp.float32) * 0.1
    bl1 = jnp.zeros((PI_D,), dtype=jnp.float32)
    Wl = jax.random.normal(ks[7], (PI_D, 1), dtype=jnp.float32) * 0.1
    bl = jnp.zeros((1,), dtype=jnp.float32)
    return {"x": x, "edge_index": edge_index, "lp_edges": lp_edges, "PI": PI,
            "W1": W1, "b1": b1, "W2": W2, "b2": b2,
            "Wl1": Wl1, "bl1": bl1, "Wl": Wl, "bl": bl}


def _gcn_conv(x, W, b, src, dst, n):
    # GCNConv: add self-loops, symmetric deg^-1/2 normalization, scatter-add aggregate
    h = x @ W
    sl = jnp.arange(n, dtype=src.dtype)
    src_sl = jnp.concatenate([src, sl])
    dst_sl = jnp.concatenate([dst, sl])
    deg = jax.ops.segment_sum(jnp.ones_like(dst_sl, dtype=h.dtype), dst_sl, num_segments=n)
    dinv = jax.lax.rsqrt(jnp.maximum(deg, 1.0))
    norm = dinv[src_sl] * dinv[dst_sl]
    msg = h[src_sl] * norm[:, None]
    out = jax.ops.segment_sum(msg, dst_sl, num_segments=n)
    return out + b


def reference(x, edge_index, lp_edges, PI, W1, b1, W2, b2, Wl1, bl1, Wl, bl):
    # encode (eval mode: dropout is identity)
    src, dst = edge_index[0], edge_index[1]
    n = x.shape[0]
    h = jax.nn.relu(_gcn_conv(x, W1, b1, src, dst, n))
    emb = jax.nn.relu(_gcn_conv(h, W2, b2, src, dst, n))
    # decode
    # emb.renorm_(2, 0, 1): clip each row's L2 norm to 1 (torch uses norm+1e-7 in denom)
    norms = jnp.linalg.norm(emb, axis=1, keepdims=True)
    scale = jnp.where(norms > 1.0, 1.0 / (norms + 1e-7), 1.0)
    emb = emb * scale
    emb_in = emb[lp_edges[:, 0]]
    emb_out = emb[lp_edges[:, 1]]
    sqdist = (emb_in - emb_out) ** 2
    z = jnp.concatenate([sqdist, PI], axis=1)
    z = z @ Wl1 + bl1
    z = jnp.where(z > 0, z, 0.2 * z)  # LeakyReLU(0.2)
    s = jnp.abs(z @ Wl + bl).reshape(-1)
    s = jnp.clip(s, 0.0, 40.0)
    prob = 1.0 / (jnp.exp((s - 2.0) / 1.0) + 1.0)
    return prob

if __name__ == "__main__":
    import jax
    _d = setup_inputs()
    print(jax.jit(kernel)(*tuple(_d.values())))

</pallas_src>

<mosaic_0001>
#map = affine_map<(d0, d1) -> (0, 0, 0)>
#map1 = affine_map<(d0, d1) -> (0, 0)>
module attributes {stable_mosaic.version = 14 : i64} {
  func.func @_sc_degree(%arg0: i32, %arg1: i32, %arg2: memref<32x79x128xi32, #tpu.memory_space<hbm>>, %arg3: memref<128x16xf32, #tpu.memory_space<hbm>>, %arg4: memref<632x16xf32, #tpu.memory_space<hbm>>, %arg5: memref<2x10112x16xf32, #tpu.memory_space<hbm>>, %arg6: memref<79x128xi32, #tpu.memory_space<vmem>>, %arg7: memref<128x16xf32, #tpu.memory_space<vmem>>, %arg8: memref<10112x16xf32, #tpu.memory_space<vmem_shared>>) attributes {dimension_semantics = [#tpu.dimension_semantics<core_parallel>, #tpu.dimension_semantics<subcore_parallel>], iteration_bounds = array<i64: 2, 16>, scalar_prefetch = 0 : i64, scratch_operands = 3 : i64, tpu.core_type = #tpu.core_type<sc_vector_subcore>, window_params = [{transform_indices = #map}, {transform_indices = #map1}, {transform_indices = #map1}, {transform_indices = #map}]} {
    %mul3A = arith.constant 2 : i32
    %mul3A_0 = arith.muli %arg1, %mul3A : i32
    %add3A = arith.addi %mul3A_0, %arg0 : i32
    %mul3A_1 = arith.constant 632 : i32
    %mul3A_2 = arith.muli %arg1, %mul3A_1 : i32
    "tpu.region"() ({
      %run_scoped3A = tpu.sem_alloc : memref<!tpu.dma_semaphore, #tpu.memory_space<semaphore_mem>>
      %dma_start3A = arith.constant 0 : i32
      %dma_start3A_13 = tpu.memref_slice %arg8[%mul3A_2, %dma_start3A] : memref<10112x16xf32, #tpu.memory_space<vmem_shared>> -> memref<632x16xf32, #tpu.memory_space<vmem_shared>>
      tpu.enqueue_dma source(%arg4 : memref<632x16xf32, #tpu.memory_space<hbm>>) target(%dma_start3A_13 : memref<632x16xf32, #tpu.memory_space<vmem_shared>>) target_semaphore(%run_scoped3A : memref<!tpu.dma_semaphore, #tpu.memory_space<semaphore_mem>>)
      %dma_wait3A = arith.constant 0 : i32
      %dma_wait3A_14 = tpu.memref_slice %arg8[%mul3A_2, %dma_wait3A] : memref<10112x16xf32, #tpu.memory_space<vmem_shared>> -> memref<632x16xf32, #tpu.memory_space<vmem_shared>>
      tpu.wait_dma2 semaphore(%run_scoped3A : memref<!tpu.dma_semaphore, #tpu.memory_space<semaphore_mem>>) src(%arg4 : memref<632x16xf32, #tpu.memory_space<hbm>>) dst(%dma_wait3A_14 : memref<632x16xf32, #tpu.memory_space<vmem_shared>>)
      tpu.yield
    }) : () -> ()
    "tpu.region"() ({
      %run_scoped3A = tpu.sem_alloc : memref<!tpu.dma_semaphore, #tpu.memory_space<semaphore_mem>>
      %dma_start3A = arith.constant 0 : i32
      %dma_start3A_13 = arith.constant 0 : i32
      %dma_start3A_14 = tpu.memref_slice %arg2[%add3A, %dma_start3A, %dma_start3A_13] : memref<32x79x128xi32, #tpu.memory_space<hbm>> -> memref<1x79x128xi32, #tpu.memory_space<hbm>>
      %dma_start3A_15 = tpu.memref_squeeze %dma_start3A_14 : memref<1x79x128xi32, #tpu.memory_space<hbm>> -> memref<79x128xi32, #tpu.memory_space<hbm>>
      %dma_start3A_16 = arith.constant 0 : i32
      %dma_start3A_17 = arith.constant 0 : i32
      %dma_start3A_18 = tpu.memref_slice %arg2[%add3A, %dma_start3A_16, %dma_start3A_17] : memref<32x79x128xi32, #tpu.memory_space<hbm>> -> memref<1x79x128xi32, #tpu.memory_space<hbm>>
      %dma_start3A_19 = tpu.memref_squeeze %dma_start3A_18 : memref<1x79x128xi32, #tpu.memory_space<hbm>> -> memref<79x128xi32, #tpu.memory_space<hbm>>
      tpu.enqueue_dma source(%dma_start3A_19 : memref<79x128xi32, #tpu.memory_space<hbm>>) target(%arg6 : memref<79x128xi32, #tpu.memory_space<vmem>>) target_semaphore(%run_scoped3A : memref<!tpu.dma_semaphore, #tpu.memory_space<semaphore_mem>>)
      %dma_wait3A = arith.constant 0 : i32
      %dma_wait3A_20 = arith.constant 0 : i32
      %dma_wait3A_21 = tpu.memref_slice %arg2[%add3A, %dma_wait3A, %dma_wait3A_20] : memref<32x79x128xi32, #tpu.memory_space<hbm>> -> memref<1x79x128xi32, #tpu.memory_space<hbm>>
      %dma_wait3A_22 = tpu.memref_squeeze %dma_wait3A_21 : memref<1x79x128xi32, #tpu.memory_space<hbm>> -> memref<79x128xi32, #tpu.memory_space<hbm>>
      %dma_wait3A_23 = arith.constant 0 : i32
      %dma_wait3A_24 = arith.constant 0 : i32
      %dma_wait3A_25 = tpu.memref_slice %arg2[%add3A, %dma_wait3A_23, %dma_wait3A_24] : memref<32x79x128xi32, #tpu.memory_space<hbm>> -> memref<1x79x128xi32, #tpu.memory_space<hbm>>
      %dma_wait3A_26 = tpu.memref_squeeze %dma_wait3A_25 : memref<1x79x128xi32, #tpu.memory_space<hbm>> -> memref<79x128xi32, #tpu.memory_space<hbm>>
      tpu.wait_dma2 semaphore(%run_scoped3A : memref<!tpu.dma_semaphore, #tpu.memory_space<semaphore_mem>>) src(%dma_wait3A_26 : memref<79x128xi32, #tpu.memory_space<hbm>>) dst(%arg6 : memref<79x128xi32, #tpu.memory_space<vmem>>)
      tpu.yield
    }) : () -> ()
    "tpu.region"() ({
      %run_scoped3A = tpu.sem_alloc : memref<!tpu.dma_semaphore, #tpu.memory_space<semaphore_mem>>
      tpu.enqueue_dma source(%arg3 : memref<128x16xf32, #tpu.memory_space<hbm>>) target(%arg7 : memref<128x16xf32, #tpu.memory_space<vmem>>) target_semaphore(%run_scoped3A : memref<!tpu.dma_semaphore, #tpu.memory_space<semaphore_mem>>)
      tpu.wait_dma2 semaphore(%run_scoped3A : memref<!tpu.dma_semaphore, #tpu.memory_space<semaphore_mem>>) src(%arg3 : memref<128x16xf32, #tpu.memory_space<hbm>>) dst(%arg7 : memref<128x16xf32, #tpu.memory_space<vmem>>)
      tpu.yield
    }) : () -> ()
    %barrier3A = arith.constant 0 : index
    tpu.barrier barrier_id(%barrier3A)
    %scan3A = arith.constant 0 : i32
    %scan3A_3 = arith.constant 0 : i32
    %scan3A_4 = arith.constant 79 : i32
    %scan3A_5 = arith.addi %scan3A_3, %scan3A_4 : i32
    %scan3A_6 = arith.constant 1 : i32
    scf.for %scan3A_13 = %scan3A_3 to %scan3A_5 step %scan3A_6  : i32 {
      "tpu.region"() ({
        %run_scoped3A = tpu.sem_alloc : memref<!tpu.dma_semaphore, #tpu.memory_space<semaphore_mem>>
        %dma_start3A = arith.constant 0 : i32
        %dma_start3A_14 = tpu.memref_slice %arg6[%scan3A_13, %dma_start3A] : memref<79x128xi32, #tpu.memory_space<vmem>> -> memref<1x128xi32, #tpu.memory_space<vmem>>
        %dma_start3A_15 = tpu.memref_squeeze %dma_start3A_14 : memref<1x128xi32, #tpu.memory_space<vmem>> -> memref<128xi32, #tpu.memory_space<vmem>>
        %dma_start3A_16 = arith.constant 0 : i32
        %dma_start3A_17 = arith.constant 0 : i32
        %dma_start3A_18 = tpu.memref_slice %arg8[%dma_start3A_16, %dma_start3A_17] : memref<10112x16xf32, #tpu.memory_space<vmem_shared>> -> memref<10112x16xf32, #tpu.memory_space<vmem_shared>>
        tpu.enqueue_indirect_dma source(%arg7 : memref<128x16xf32, #tpu.memory_space<vmem>>) target(%dma_start3A_18 : memref<10112x16xf32, #tpu.memory_space<vmem_shared>>) offsets(%dma_start3A_15 : memref<128xi32, #tpu.memory_space<vmem>>) semaphore(%run_scoped3A : memref<!tpu.dma_semaphore, #tpu.memory_space<semaphore_mem>>) {add = true}
        %dma_wait3A = arith.constant 0 : i32
        %dma_wait3A_19 = tpu.memref_slice %arg6[%scan3A_13, %dma_wait3A] : memref<79x128xi32, #tpu.memory_space<vmem>> -> memref<1x128xi32, #tpu.memory_space<vmem>>
        %dma_wait3A_20 = tpu.memref_squeeze %dma_wait3A_19 : memref<1x128xi32, #tpu.memory_space<vmem>> -> memref<128xi32, #tpu.memory_space<vmem>>
        %dma_wait3A_21 = arith.constant 0 : i32
        %dma_wait3A_22 = arith.constant 0 : i32
        %dma_wait3A_23 = tpu.memref_slice %arg8[%dma_wait3A_21, %dma_wait3A_22] : memref<10112x16xf32, #tpu.memory_space<vmem_shared>> -> memref<10112x16xf32, #tpu.memory_space<vmem_shared>>
        tpu.wait_indirect_dma semaphore(%run_scoped3A : memref<!tpu.dma_semaphore, #tpu.memory_space<semaphore_mem>>) src(%arg7 : memref<128x16xf32, #tpu.memory_space<vmem>>) dst(%dma_wait3A_23 : memref<10112x16xf32, #tpu.memory_space<vmem_shared>>)
        tpu.yield
      }) : () -> ()
    }
    %scan3A_7 = arith.constant 79 : i32
    %barrier3A_8 = arith.constant 0 : index
    tpu.barrier barrier_id(%barrier3A_8)
    %mul3A_9 = arith.constant 632 : i32
    %mul3A_10 = arith.muli %arg1, %mul3A_9 : i32
    %mul3A_11 = arith.constant 632 : i32
    %mul3A_12 = arith.muli %arg1, %mul3A_11 : i32
    "tpu.region"() ({
      %run_scoped3A = tpu.sem_alloc : memref<!tpu.dma_semaphore, #tpu.memory_space<semaphore_mem>>
      %dma_start3A = arith.constant 0 : i32
      %dma_start3A_13 = tpu.memref_slice %arg5[%arg0, %mul3A_12, %dma_start3A] : memref<2x10112x16xf32, #tpu.memory_space<hbm>> -> memref<1x632x16xf32, #tpu.memory_space<hbm>>
      %dma_start3A_14 = tpu.memref_squeeze %dma_start3A_13 : memref<1x632x16xf32, #tpu.memory_space<hbm>> -> memref<632x16xf32, #tpu.memory_space<hbm>>
      %dma_start3A_15 = arith.constant 0 : i32
      %dma_start3A_16 = tpu.memref_slice %arg8[%mul3A_10, %dma_start3A_15] : memref<10112x16xf32, #tpu.memory_space<vmem_shared>> -> memref<632x16xf32, #tpu.memory_space<vmem_shared>>
      tpu.enqueue_dma source(%dma_start3A_16 : memref<632x16xf32, #tpu.memory_space<vmem_shared>>) target(%dma_start3A_14 : memref<632x16xf32, #tpu.memory_space<hbm>>) target_semaphore(%run_scoped3A : memref<!tpu.dma_semaphore, #tpu.memory_space<semaphore_mem>>)
      %dma_wait3A = arith.constant 0 : i32
      %dma_wait3A_17 = tpu.memref_slice %arg5[%arg0, %mul3A_12, %dma_wait3A] : memref<2x10112x16xf32, #tpu.memory_space<hbm>> -> memref<1x632x16xf32, #tpu.memory_space<hbm>>
      %dma_wait3A_18 = tpu.memref_squeeze %dma_wait3A_17 : memref<1x632x16xf32, #tpu.memory_space<hbm>> -> memref<632x16xf32, #tpu.memory_space<hbm>>
      %dma_wait3A_19 = arith.constant 0 : i32
      %dma_wait3A_20 = tpu.memref_slice %arg8[%mul3A_10, %dma_wait3A_19] : memref<10112x16xf32, #tpu.memory_space<vmem_shared>> -> memref<632x16xf32, #tpu.memory_space<vmem_shared>>
      tpu.wait_dma2 semaphore(%run_scoped3A : memref<!tpu.dma_semaphore, #tpu.memory_space<semaphore_mem>>) src(%dma_wait3A_20 : memref<632x16xf32, #tpu.memory_space<vmem_shared>>) dst(%dma_wait3A_18 : memref<632x16xf32, #tpu.memory_space<hbm>>)
      tpu.yield
    }) : () -> ()
    return
  }
}

#map = affine_map<(d0, d1) -> (0, 0)>
#map1 = affine_map<(d0, d1) -> (0, 0, 0)>
module attributes {stable_mosaic.version = 14 : i64} {
  func.func @agg(%arg0: i32, %arg1: i32, %arg2: memref<10000x64xf32, #tpu.memory_space<hbm>>, %arg3: memref<32x79x128xi32, #tpu.memory_space<hbm>>, %arg4: memref<32x79x128xi32, #tpu.memory_space<hbm>>, %arg5: memref<632x64xf32, #tpu.memory_space<hbm>>, %arg6: memref<2x10112x64xf32, #tpu.memory_space<hbm>>, %arg7: memref<79x128xi32, #tpu.memory_space<vmem>>, %arg8: memref<79x128xi32, #tpu.memory_space<vmem>>, %arg9: memref<128x64xf32, #tpu.memory_space<vmem>>, %arg10: memref<10000x64xf32, #tpu.memory_space<vmem_shared>>, %arg11: memref<10112x64xf32, #tpu.memory_space<vmem_shared>>, %arg12: memref<!tpu.dma_semaphore, #tpu.memory_space<semaphore_mem>>) attributes {dimension_semantics = [#tpu.dimension_semantics<core_parallel>, #tpu.dimension_semantics<subcore_parallel>], iteration_bounds = array<i64: 2, 16>, scalar_prefetch = 0 : i64, scratch_operands = 6 : i64, tpu.core_type = #tpu.core_type<sc_vector_subcore>, window_params = [{transform_indices = #map}, {transform_indices = #map1}, {transform_indices = #map1}, {transform_indices = #map}, {transform_indices = #map1}]} {
    %mul3A = arith.constant 2 : i32
    %mul3A_0 = arith.muli %arg1, %mul3A : i32
    %add3A = arith.addi %mul3A_0, %arg0 : i32
    %mul3A_1 = arith.constant 632 : i32
    %mul3A_2 = arith.muli %arg1, %mul3A_1 : i32
    "tpu.region"() ({
      %run_scoped3A = tpu.sem_alloc : memref<!tpu.dma_semaphore, #tpu.memory_space<semaphore_mem>>
      %dma_start3A = arith.constant 0 : i32
      %dma_start3A_17 = tpu.memref_slice %arg11[%mul3A_2, %dma_start3A] : memref<10112x64xf32, #tpu.memory_space<vmem_shared>> -> memref<632x64xf32, #tpu.memory_space<vmem_shared>>
      tpu.enqueue_dma source(%arg5 : memref<632x64xf32, #tpu.memory_space<hbm>>) target(%dma_start3A_17 : memref<632x64xf32, #tpu.memory_space<vmem_shared>>) target_semaphore(%run_scoped3A : memref<!tpu.dma_semaphore, #tpu.memory_space<semaphore_mem>>)
      %dma_wait3A = arith.constant 0 : i32
      %dma_wait3A_18 = tpu.memref_slice %arg11[%mul3A_2, %dma_wait3A] : memref<10112x64xf32, #tpu.memory_space<vmem_shared>> -> memref<632x64xf32, #tpu.memory_space<vmem_shared>>
      tpu.wait_dma2 semaphore(%run_scoped3A : memref<!tpu.dma_semaphore, #tpu.memory_space<semaphore_mem>>) src(%arg5 : memref<632x64xf32, #tpu.memory_space<hbm>>) dst(%dma_wait3A_18 : memref<632x64xf32, #tpu.memory_space<vmem_shared>>)
      tpu.yield
    }) : () -> ()
    %mul3A_3 = arith.constant 625 : i32
    %mul3A_4 = arith.muli %arg1, %mul3A_3 : i32
    %mul3A_5 = arith.constant 625 : i32
    %mul3A_6 = arith.muli %arg1, %mul3A_5 : i32
    "tpu.region"() ({
      %run_scoped3A = tpu.sem_alloc : memref<!tpu.dma_semaphore, #tpu.memory_space<semaphore_mem>>
      %dma_start3A = arith.constant 0 : i32
      %dma_start3A_17 = tpu.memref_slice %arg10[%mul3A_6, %dma_start3A] : memref<10000x64xf32, #tpu.memory_space<vmem_shared>> -> memref<625x64xf32, #tpu.memory_space<vmem_shared>>
      %dma_start3A_18 = arith.constant 0 : i32
      %dma_start3A_19 = tpu.memref_slice %arg2[%mul3A_4, %dma_start3A_18] : memref<10000x64xf32, #tpu.memory_space<hbm>> -> memref<625x64xf32, #tpu.memory_space<hbm>>
      tpu.enqueue_dma source(%dma_start3A_19 : memref<625x64xf32, #tpu.memory_space<hbm>>) target(%dma_start3A_17 : memref<625x64xf32, #tpu.memory_space<vmem_shared>>) target_semaphore(%run_scoped3A : memref<!tpu.dma_semaphore, #tpu.memory_space<semaphore_mem>>)
      %dma_wait3A = arith.constant 0 : i32
      %dma_wait3A_20 = tpu.memref_slice %arg10[%mul3A_6, %dma_wait3A] : memref<10000x64xf32, #tpu.memory_space<vmem_shared>> -> memref<625x64xf32, #tpu.memory_space<vmem_shared>>
      %dma_wait3A_21 = arith.constant 0 : i32
      %dma_wait3A_22 = tpu.memref_slice %arg2[%mul3A_4, %dma_wait3A_21] : memref<10000x64xf32, #tpu.memory_space<hbm>> -> memref<625x64xf32, #tpu.memory_space<hbm>>
      tpu.wait_dma2 semaphore(%run_scoped3A : memref<!tpu.dma_semaphore, #tpu.memory_space<semaphore_mem>>) src(%dma_wait3A_22 : memref<625x64xf32, #tpu.memory_space<hbm>>) dst(%dma_wait3A_20 : memref<625x64xf32, #tpu.memory_space<vmem_shared>>)
      tpu.yield
    }) : () -> ()
    "tpu.region"() ({
      %run_scoped3A = tpu.sem_alloc : memref<!tpu.dma_semaphore, #tpu.memory_space<semaphore_mem>>
      %dma_start3A = arith.constant 0 : i32
      %dma_start3A_17 = arith.constant 0 : i32
      %dma_start3A_18 = tpu.memref_slice %arg3[%add3A, %dma_start3A, %dma_start3A_17] : memref<32x79x128xi32, #tpu.memory_space<hbm>> -> memref<1x79x128xi32, #tpu.memory_space<hbm>>
      %dma_start3A_19 = tpu.memref_squeeze %dma_start3A_18 : memref<1x79x128xi32, #tpu.memory_space<hbm>> -> memref<79x128xi32, #tpu.memory_space<hbm>>
      %dma_start3A_20 = arith.constant 0 : i32
      %dma_start3A_21 = arith.constant 0 : i32
      %dma_start3A_22 = tpu.memref_slice %arg3[%add3A, %dma_start3A_20, %dma_start3A_21] : memref<32x79x128xi32, #tpu.memory_space<hbm>> -> memref<1x79x128xi32, #tpu.memory_space<hbm>>
      %dma_start3A_23 = tpu.memref_squeeze %dma_start3A_22 : memref<1x79x128xi32, #tpu.memory_space<hbm>> -> memref<79x128xi32, #tpu.memory_space<hbm>>
      tpu.enqueue_dma source(%dma_start3A_23 : memref<79x128xi32, #tpu.memory_space<hbm>>) target(%arg7 : memref<79x128xi32, #tpu.memory_space<vmem>>) target_semaphore(%run_scoped3A : memref<!tpu.dma_semaphore, #tpu.memory_space<semaphore_mem>>)
      %dma_wait3A = arith.constant 0 : i32
      %dma_wait3A_24 = arith.constant 0 : i32
      %dma_wait3A_25 = tpu.memref_slice %arg3[%add3A, %dma_wait3A, %dma_wait3A_24] : memref<32x79x128xi32, #tpu.memory_space<hbm>> -> memref<1x79x128xi32, #tpu.memory_space<hbm>>
      %dma_wait3A_26 = tpu.memref_squeeze %dma_wait3A_25 : memref<1x79x128xi32, #tpu.memory_space<hbm>> -> memref<79x128xi32, #tpu.memory_space<hbm>>
      %dma_wait3A_27 = arith.constant 0 : i32
      %dma_wait3A_28 = arith.constant 0 : i32
      %dma_wait3A_29 = tpu.memref_slice %arg3[%add3A, %dma_wait3A_27, %dma_wait3A_28] : memref<32x79x128xi32, #tpu.memory_space<hbm>> -> memref<1x79x128xi32, #tpu.memory_space<hbm>>
      %dma_wait3A_30 = tpu.memref_squeeze %dma_wait3A_29 : memref<1x79x128xi32, #tpu.memory_space<hbm>> -> memref<79x128xi32, #tpu.memory_space<hbm>>
      tpu.wait_dma2 semaphore(%run_scoped3A : memref<!tpu.dma_semaphore, #tpu.memory_space<semaphore_mem>>) src(%dma_wait3A_30 : memref<79x128xi32, #tpu.memory_space<hbm>>) dst(%arg7 : memref<79x128xi32, #tpu.memory_space<vmem>>)
      tpu.yield
    }) : () -> ()
    "tpu.region"() ({
      %run_scoped3A = tpu.sem_alloc : memref<!tpu.dma_semaphore, #tpu.memory_space<semaphore_mem>>
      %dma_start3A = arith.constant 0 : i32
      %dma_start3A_17 = arith.constant 0 : i32
      %dma_start3A_18 = tpu.memref_slice %arg4[%add3A, %dma_start3A, %dma_start3A_17] : memref<32x79x128xi32, #tpu.memory_space<hbm>> -> memref<1x79x128xi32, #tpu.memory_space<hbm>>
      %dma_start3A_19 = tpu.memref_squeeze %dma_start3A_18 : memref<1x79x128xi32, #tpu.memory_space<hbm>> -> memref<79x128xi32, #tpu.memory_space<hbm>>
      %dma_start3A_20 = arith.constant 0 : i32
      %dma_start3A_21 = arith.constant 0 : i32
      %dma_start3A_22 = tpu.memref_slice %arg4[%add3A, %dma_start3A_20, %dma_start3A_21] : memref<32x79x128xi32, #tpu.memory_space<hbm>> -> memref<1x79x128xi32, #tpu.memory_space<hbm>>
      %dma_start3A_23 = tpu.memref_squeeze %dma_start3A_22 : memref<1x79x128xi32, #tpu.memory_space<hbm>> -> memref<79x128xi32, #tpu.memory_space<hbm>>
      tpu.enqueue_dma source(%dma_start3A_23 : memref<79x128xi32, #tpu.memory_space<hbm>>) target(%arg8 : memref<79x128xi32, #tpu.memory_space<vmem>>) target_semaphore(%run_scoped3A : memref<!tpu.dma_semaphore, #tpu.memory_space<semaphore_mem>>)
      %dma_wait3A = arith.constant 0 : i32
      %dma_wait3A_24 = arith.constant 0 : i32
      %dma_wait3A_25 = tpu.memref_slice %arg4[%add3A, %dma_wait3A, %dma_wait3A_24] : memref<32x79x128xi32, #tpu.memory_space<hbm>> -> memref<1x79x128xi32, #tpu.memory_space<hbm>>
      %dma_wait3A_26 = tpu.memref_squeeze %dma_wait3A_25 : memref<1x79x128xi32, #tpu.memory_space<hbm>> -> memref<79x128xi32, #tpu.memory_space<hbm>>
      %dma_wait3A_27 = arith.constant 0 : i32
      %dma_wait3A_28 = arith.constant 0 : i32
      %dma_wait3A_29 = tpu.memref_slice %arg4[%add3A, %dma_wait3A_27, %dma_wait3A_28] : memref<32x79x128xi32, #tpu.memory_space<hbm>> -> memref<1x79x128xi32, #tpu.memory_space<hbm>>
      %dma_wait3A_30 = tpu.memref_squeeze %dma_wait3A_29 : memref<1x79x128xi32, #tpu.memory_space<hbm>> -> memref<79x128xi32, #tpu.memory_space<hbm>>
      tpu.wait_dma2 semaphore(%run_scoped3A : memref<!tpu.dma_semaphore, #tpu.memory_space<semaphore_mem>>) src(%dma_wait3A_30 : memref<79x128xi32, #tpu.memory_space<hbm>>) dst(%arg8 : memref<79x128xi32, #tpu.memory_space<vmem>>)
      tpu.yield
    }) : () -> ()
    %barrier3A = arith.constant 0 : index
    tpu.barrier barrier_id(%barrier3A)
    %scan3A = arith.constant 0 : i32
    %scan3A_7 = arith.constant 0 : i32
    %scan3A_8 = arith.constant 79 : i32
    %scan3A_9 = arith.addi %scan3A_7, %scan3A_8 : i32
    %scan3A_10 = arith.constant 1 : i32
    scf.for %scan3A_17 = %scan3A_7 to %scan3A_9 step %scan3A_10  : i32 {
      %dma_start3A = arith.constant 0 : i32
      %dma_start3A_18 = tpu.memref_slice %arg7[%scan3A_17, %dma_start3A] : memref<79x128xi32, #tpu.memory_space<vmem>> -> memref<1x128xi32, #tpu.memory_space<vmem>>
      %dma_start3A_19 = tpu.memref_squeeze %dma_start3A_18 : memref<1x128xi32, #tpu.memory_space<vmem>> -> memref<128xi32, #tpu.memory_space<vmem>>
      %dma_start3A_20 = arith.constant 0 : i32
      %dma_start3A_21 = arith.constant 0 : i32
      %dma_start3A_22 = tpu.memref_slice %arg10[%dma_start3A_20, %dma_start3A_21] : memref<10000x64xf32, #tpu.memory_space<vmem_shared>> -> memref<10000x64xf32, #tpu.memory_space<vmem_shared>>
      tpu.enqueue_indirect_dma source(%dma_start3A_22 : memref<10000x64xf32, #tpu.memory_space<vmem_shared>>) target(%arg9 : memref<128x64xf32, #tpu.memory_space<vmem>>) offsets(%dma_start3A_19 : memref<128xi32, #tpu.memory_space<vmem>>) semaphore(%arg12 : memref<!tpu.dma_semaphore, #tpu.memory_space<semaphore_mem>>)
      %dma_wait3A = arith.constant 0 : i32
      %dma_wait3A_23 = tpu.memref_slice %arg7[%scan3A_17, %dma_wait3A] : memref<79x128xi32, #tpu.memory_space<vmem>> -> memref<1x128xi32, #tpu.memory_space<vmem>>
      %dma_wait3A_24 = tpu.memref_squeeze %dma_wait3A_23 : memref<1x128xi32, #tpu.memory_space<vmem>> -> memref<128xi32, #tpu.memory_space<vmem>>
      %dma_wait3A_25 = arith.constant 0 : i32
      %dma_wait3A_26 = arith.constant 0 : i32
      %dma_wait3A_27 = tpu.memref_slice %arg10[%dma_wait3A_25, %dma_wait3A_26] : memref<10000x64xf32, #tpu.memory_space<vmem_shared>> -> memref<10000x64xf32, #tpu.memory_space<vmem_shared>>
      tpu.wait_indirect_dma semaphore(%arg12 : memref<!tpu.dma_semaphore, #tpu.memory_space<semaphore_mem>>) src(%dma_wait3A_27 : memref<10000x64xf32, #tpu.memory_space<vmem_shared>>) dst(%arg9 : memref<128x64xf32, #tpu.memory_space<vmem>>)
      "tpu.region"() ({
        %run_scoped3A = tpu.sem_alloc : memref<!tpu.dma_semaphore, #tpu.memory_space<semaphore_mem>>
        %dma_start3A_28 = arith.constant 0 : i32
        %dma_start3A_29 = tpu.memref_slice %arg8[%scan3A_17, %dma_start3A_28] : memref<79x128xi32, #tpu.memory_space<vmem>> -> memref<1x128xi32, #tpu.memory_space<vmem>>
        %dma_start3A_30 = tpu.memref_squeeze %dma_start3A_29 : memref<1x128xi32, #tpu.memory_space<vmem>> -> memref<128xi32, #tpu.memory_space<vmem>>
        %dma_start3A_31 = arith.constant 0 : i32
        %dma_start3A_32 = arith.constant 0 : i32
        %dma_start3A_33 = tpu.memref_slice %arg11[%dma_start3A_31, %dma_start3A_32] : memref<10112x64xf32, #tpu.memory_space<vmem_shared>> -> memref<10112x64xf32, #tpu.memory_space<vmem_shared>>
        tpu.enqueue_indirect_dma source(%arg9 : memref<128x64xf32, #tpu.memory_space<vmem>>) target(%dma_start3A_33 : memref<10112x64xf32, #tpu.memory_space<vmem_shared>>) offsets(%dma_start3A_30 : memref<128xi32, #tpu.memory_space<vmem>>) semaphore(%run_scoped3A : memref<!tpu.dma_semaphore, #tpu.memory_space<semaphore_mem>>) {add = true}
        %dma_wait3A_34 = arith.constant 0 : i32
        %dma_wait3A_35 = tpu.memref_slice %arg8[%scan3A_17, %dma_wait3A_34] : memref<79x128xi32, #tpu.memory_space<vmem>> -> memref<1x128xi32, #tpu.memory_space<vmem>>
        %dma_wait3A_36 = tpu.memref_squeeze %dma_wait3A_35 : memref<1x128xi32, #tpu.memory_space<vmem>> -> memref<128xi32, #tpu.memory_space<vmem>>
        %dma_wait3A_37 = arith.constant 0 : i32
        %dma_wait3A_38 = arith.constant 0 : i32
        %dma_wait3A_39 = tpu.memref_slice %arg11[%dma_wait3A_37, %dma_wait3A_38] : memref<10112x64xf32, #tpu.memory_space<vmem_shared>> -> memref<10112x64xf32, #tpu.memory_space<vmem_shared>>
        tpu.wait_indirect_dma semaphore(%run_scoped3A : memref<!tpu.dma_semaphore, #tpu.memory_space<semaphore_mem>>) src(%arg9 : memref<128x64xf32, #tpu.memory_space<vmem>>) dst(%dma_wait3A_39 : memref<10112x64xf32, #tpu.memory_space<vmem_shared>>)
        tpu.yield
      }) : () -> ()
    }
    %scan3A_11 = arith.constant 79 : i32
    %barrier3A_12 = arith.constant 0 : index
    tpu.barrier barrier_id(%barrier3A_12)
    %mul3A_13 = arith.constant 632 : i32
    %mul3A_14 = arith.muli %arg1, %mul3A_13 : i32
    %mul3A_15 = arith.constant 632 : i32
    %mul3A_16 = arith.muli %arg1, %mul3A_15 : i32
    "tpu.region"() ({
      %run_scoped3A = tpu.sem_alloc : memref<!tpu.dma_semaphore, #tpu.memory_space<semaphore_mem>>
      %dma_start3A = arith.constant 0 : i32
      %dma_start3A_17 = tpu.memref_slice %arg6[%arg0, %mul3A_16, %dma_start3A] : memref<2x10112x64xf32, #tpu.memory_space<hbm>> -> memref<1x632x64xf32, #tpu.memory_space<hbm>>
      %dma_start3A_18 = tpu.memref_squeeze %dma_start3A_17 : memref<1x632x64xf32, #tpu.memory_space<hbm>> -> memref<632x64xf32, #tpu.memory_space<hbm>>
      %dma_start3A_19 = arith.constant 0 : i32
      %dma_start3A_20 = tpu.memref_slice %arg11[%mul3A_14, %dma_start3A_19] : memref<10112x64xf32, #tpu.memory_space<vmem_shared>> -> memref<632x64xf32, #tpu.memory_space<vmem_shared>>
      tpu.enqueue_dma source(%dma_start3A_20 : memref<632x64xf32, #tpu.memory_space<vmem_shared>>) target(%dma_start3A_18 : memref<632x64xf32, #tpu.memory_space<hbm>>) target_semaphore(%run_scoped3A : memref<!tpu.dma_semaphore, #tpu.memory_space<semaphore_mem>>)
      %dma_wait3A = arith.constant 0 : i32
      %dma_wait3A_21 = tpu.memref_slice %arg6[%arg0, %mul3A_16, %dma_wait3A] : memref<2x10112x64xf32, #tpu.memory_space<hbm>> -> memref<1x632x64xf32, #tpu.memory_space<hbm>>
      %dma_wait3A_22 = tpu.memref_squeeze %dma_wait3A_21 : memref<1x632x64xf32, #tpu.memory_space<hbm>> -> memref<632x64xf32, #tpu.memory_space<hbm>>
      %dma_wait3A_23 = arith.constant 0 : i32
      %dma_wait3A_24 = tpu.memref_slice %arg11[%mul3A_14, %dma_wait3A_23] : memref<10112x64xf32, #tpu.memory_space<vmem_shared>> -> memref<632x64xf32, #tpu.memory_space<vmem_shared>>
      tpu.wait_dma2 semaphore(%run_scoped3A : memref<!tpu.dma_semaphore, #tpu.memory_space<semaphore_mem>>) src(%dma_wait3A_24 : memref<632x64xf32, #tpu.memory_space<vmem_shared>>) dst(%dma_wait3A_22 : memref<632x64xf32, #tpu.memory_space<hbm>>)
      tpu.yield
    }) : () -> ()
    return
  }
}

#map = affine_map<(d0, d1) -> (0, 0)>
#map1 = affine_map<(d0, d1) -> (0, 0, 0)>
module attributes {stable_mosaic.version = 14 : i64} {
  func.func @agg(%arg0: i32, %arg1: i32, %arg2: memref<10000x64xf32, #tpu.memory_space<hbm>>, %arg3: memref<32x79x128xi32, #tpu.memory_space<hbm>>, %arg4: memref<32x79x128xi32, #tpu.memory_space<hbm>>, %arg5: memref<632x64xf32, #tpu.memory_space<hbm>>, %arg6: memref<2x10112x64xf32, #tpu.memory_space<hbm>>, %arg7: memref<79x128xi32, #tpu.memory_space<vmem>>, %arg8: memref<79x128xi32, #tpu.memory_space<vmem>>, %arg9: memref<128x64xf32, #tpu.memory_space<vmem>>, %arg10: memref<10000x64xf32, #tpu.memory_space<vmem_shared>>, %arg11: memref<10112x64xf32, #tpu.memory_space<vmem_shared>>, %arg12: memref<!tpu.dma_semaphore, #tpu.memory_space<semaphore_mem>>) attributes {dimension_semantics = [#tpu.dimension_semantics<core_parallel>, #tpu.dimension_semantics<subcore_parallel>], iteration_bounds = array<i64: 2, 16>, scalar_prefetch = 0 : i64, scratch_operands = 6 : i64, tpu.core_type = #tpu.core_type<sc_vector_subcore>, window_params = [{transform_indices = #map}, {transform_indices = #map1}, {transform_indices = #map1}, {transform_indices = #map}, {transform_indices = #map1}]} {
    %mul3A = arith.constant 2 : i32
    %mul3A_0 = arith.muli %arg1, %mul3A : i32
    %add3A = arith.addi %mul3A_0, %arg0 : i32
    %mul3A_1 = arith.constant 632 : i32
    %mul3A_2 = arith.muli %arg1, %mul3A_1 : i32
    "tpu.region"() ({
      %run_scoped3A = tpu.sem_alloc : memref<!tpu.dma_semaphore, #tpu.memory_space<semaphore_mem>>
      %dma_start3A = arith.constant 0 : i32
      %dma_start3A_17 = tpu.memref_slice %arg11[%mul3A_2, %dma_start3A] : memref<10112x64xf32, #tpu.memory_space<vmem_shared>> -> memref<632x64xf32, #tpu.memory_space<vmem_shared>>
      tpu.enqueue_dma source(%arg5 : memref<632x64xf32, #tpu.memory_space<hbm>>) target(%dma_start3A_17 : memref<632x64xf32, #tpu.memory_space<vmem_shared>>) target_semaphore(%run_scoped3A : memref<!tpu.dma_semaphore, #tpu.memory_space<semaphore_mem>>)
      %dma_wait3A = arith.constant 0 : i32
      %dma_wait3A_18 = tpu.memref_slice %arg11[%mul3A_2, %dma_wait3A] : memref<10112x64xf32, #tpu.memory_space<vmem_shared>> -> memref<632x64xf32, #tpu.memory_space<vmem_shared>>
      tpu.wait_dma2 semaphore(%run_scoped3A : memref<!tpu.dma_semaphore, #tpu.memory_space<semaphore_mem>>) src(%arg5 : memref<632x64xf32, #tpu.memory_space<hbm>>) dst(%dma_wait3A_18 : memref<632x64xf32, #tpu.memory_space<vmem_shared>>)
      tpu.yield
    }) : () -> ()
    %mul3A_3 = arith.constant 625 : i32
    %mul3A_4 = arith.muli %arg1, %mul3A_3 : i32
    %mul3A_5 = arith.constant 625 : i32
    %mul3A_6 = arith.muli %arg1, %mul3A_5 : i32
    "tpu.region"() ({
      %run_scoped3A = tpu.sem_alloc : memref<!tpu.dma_semaphore, #tpu.memory_space<semaphore_mem>>
      %dma_start3A = arith.constant 0 : i32
      %dma_start3A_17 = tpu.memref_slice %arg10[%mul3A_6, %dma_start3A] : memref<10000x64xf32, #tpu.memory_space<vmem_shared>> -> memref<625x64xf32, #tpu.memory_space<vmem_shared>>
      %dma_start3A_18 = arith.constant 0 : i32
      %dma_start3A_19 = tpu.memref_slice %arg2[%mul3A_4, %dma_start3A_18] : memref<10000x64xf32, #tpu.memory_space<hbm>> -> memref<625x64xf32, #tpu.memory_space<hbm>>
      tpu.enqueue_dma source(%dma_start3A_19 : memref<625x64xf32, #tpu.memory_space<hbm>>) target(%dma_start3A_17 : memref<625x64xf32, #tpu.memory_space<vmem_shared>>) target_semaphore(%run_scoped3A : memref<!tpu.dma_semaphore, #tpu.memory_space<semaphore_mem>>)
      %dma_wait3A = arith.constant 0 : i32
      %dma_wait3A_20 = tpu.memref_slice %arg10[%mul3A_6, %dma_wait3A] : memref<10000x64xf32, #tpu.memory_space<vmem_shared>> -> memref<625x64xf32, #tpu.memory_space<vmem_shared>>
      %dma_wait3A_21 = arith.constant 0 : i32
      %dma_wait3A_22 = tpu.memref_slice %arg2[%mul3A_4, %dma_wait3A_21] : memref<10000x64xf32, #tpu.memory_space<hbm>> -> memref<625x64xf32, #tpu.memory_space<hbm>>
      tpu.wait_dma2 semaphore(%run_scoped3A : memref<!tpu.dma_semaphore, #tpu.memory_space<semaphore_mem>>) src(%dma_wait3A_22 : memref<625x64xf32, #tpu.memory_space<hbm>>) dst(%dma_wait3A_20 : memref<625x64xf32, #tpu.memory_space<vmem_shared>>)
      tpu.yield
    }) : () -> ()
    "tpu.region"() ({
      %run_scoped3A = tpu.sem_alloc : memref<!tpu.dma_semaphore, #tpu.memory_space<semaphore_mem>>
      %dma_start3A = arith.constant 0 : i32
      %dma_start3A_17 = arith.constant 0 : i32
      %dma_start3A_18 = tpu.memref_slice %arg3[%add3A, %dma_start3A, %dma_start3A_17] : memref<32x79x128xi32, #tpu.memory_space<hbm>> -> memref<1x79x128xi32, #tpu.memory_space<hbm>>
      %dma_start3A_19 = tpu.memref_squeeze %dma_start3A_18 : memref<1x79x128xi32, #tpu.memory_space<hbm>> -> memref<79x128xi32, #tpu.memory_space<hbm>>
      %dma_start3A_20 = arith.constant 0 : i32
      %dma_start3A_21 = arith.constant 0 : i32
      %dma_start3A_22 = tpu.memref_slice %arg3[%add3A, %dma_start3A_20, %dma_start3A_21] : memref<32x79x128xi32, #tpu.memory_space<hbm>> -> memref<1x79x128xi32, #tpu.memory_space<hbm>>
      %dma_start3A_23 = tpu.memref_squeeze %dma_start3A_22 : memref<1x79x128xi32, #tpu.memory_space<hbm>> -> memref<79x128xi32, #tpu.memory_space<hbm>>
      tpu.enqueue_dma source(%dma_start3A_23 : memref<79x128xi32, #tpu.memory_space<hbm>>) target(%arg7 : memref<79x128xi32, #tpu.memory_space<vmem>>) target_semaphore(%run_scoped3A : memref<!tpu.dma_semaphore, #tpu.memory_space<semaphore_mem>>)
      %dma_wait3A = arith.constant 0 : i32
      %dma_wait3A_24 = arith.constant 0 : i32
      %dma_wait3A_25 = tpu.memref_slice %arg3[%add3A, %dma_wait3A, %dma_wait3A_24] : memref<32x79x128xi32, #tpu.memory_space<hbm>> -> memref<1x79x128xi32, #tpu.memory_space<hbm>>
      %dma_wait3A_26 = tpu.memref_squeeze %dma_wait3A_25 : memref<1x79x128xi32, #tpu.memory_space<hbm>> -> memref<79x128xi32, #tpu.memory_space<hbm>>
      %dma_wait3A_27 = arith.constant 0 : i32
      %dma_wait3A_28 = arith.constant 0 : i32
      %dma_wait3A_29 = tpu.memref_slice %arg3[%add3A, %dma_wait3A_27, %dma_wait3A_28] : memref<32x79x128xi32, #tpu.memory_space<hbm>> -> memref<1x79x128xi32, #tpu.memory_space<hbm>>
      %dma_wait3A_30 = tpu.memref_squeeze %dma_wait3A_29 : memref<1x79x128xi32, #tpu.memory_space<hbm>> -> memref<79x128xi32, #tpu.memory_space<hbm>>
      tpu.wait_dma2 semaphore(%run_scoped3A : memref<!tpu.dma_semaphore, #tpu.memory_space<semaphore_mem>>) src(%dma_wait3A_30 : memref<79x128xi32, #tpu.memory_space<hbm>>) dst(%arg7 : memref<79x128xi32, #tpu.memory_space<vmem>>)
      tpu.yield
    }) : () -> ()
    "tpu.region"() ({
      %run_scoped3A = tpu.sem_alloc : memref<!tpu.dma_semaphore, #tpu.memory_space<semaphore_mem>>
      %dma_start3A = arith.constant 0 : i32
      %dma_start3A_17 = arith.constant 0 : i32
      %dma_start3A_18 = tpu.memref_slice %arg4[%add3A, %dma_start3A, %dma_start3A_17] : memref<32x79x128xi32, #tpu.memory_space<hbm>> -> memref<1x79x128xi32, #tpu.memory_space<hbm>>
      %dma_start3A_19 = tpu.memref_squeeze %dma_start3A_18 : memref<1x79x128xi32, #tpu.memory_space<hbm>> -> memref<79x128xi32, #tpu.memory_space<hbm>>
      %dma_start3A_20 = arith.constant 0 : i32
      %dma_start3A_21 = arith.constant 0 : i32
      %dma_start3A_22 = tpu.memref_slice %arg4[%add3A, %dma_start3A_20, %dma_start3A_21] : memref<32x79x128xi32, #tpu.memory_space<hbm>> -> memref<1x79x128xi32, #tpu.memory_space<hbm>>
      %dma_start3A_23 = tpu.memref_squeeze %dma_start3A_22 : memref<1x79x128xi32, #tpu.memory_space<hbm>> -> memref<79x128xi32, #tpu.memory_space<hbm>>
      tpu.enqueue_dma source(%dma_start3A_23 : memref<79x128xi32, #tpu.memory_space<hbm>>) target(%arg8 : memref<79x128xi32, #tpu.memory_space<vmem>>) target_semaphore(%run_scoped3A : memref<!tpu.dma_semaphore, #tpu.memory_space<semaphore_mem>>)
      %dma_wait3A = arith.constant 0 : i32
      %dma_wait3A_24 = arith.constant 0 : i32
      %dma_wait3A_25 = tpu.memref_slice %arg4[%add3A, %dma_wait3A, %dma_wait3A_24] : memref<32x79x128xi32, #tpu.memory_space<hbm>> -> memref<1x79x128xi32, #tpu.memory_space<hbm>>
      %dma_wait3A_26 = tpu.memref_squeeze %dma_wait3A_25 : memref<1x79x128xi32, #tpu.memory_space<hbm>> -> memref<79x128xi32, #tpu.memory_space<hbm>>
      %dma_wait3A_27 = arith.constant 0 : i32
      %dma_wait3A_28 = arith.constant 0 : i32
      %dma_wait3A_29 = tpu.memref_slice %arg4[%add3A, %dma_wait3A_27, %dma_wait3A_28] : memref<32x79x128xi32, #tpu.memory_space<hbm>> -> memref<1x79x128xi32, #tpu.memory_space<hbm>>
      %dma_wait3A_30 = tpu.memref_squeeze %dma_wait3A_29 : memref<1x79x128xi32, #tpu.memory_space<hbm>> -> memref<79x128xi32, #tpu.memory_space<hbm>>
      tpu.wait_dma2 semaphore(%run_scoped3A : memref<!tpu.dma_semaphore, #tpu.memory_space<semaphore_mem>>) src(%dma_wait3A_30 : memref<79x128xi32, #tpu.memory_space<hbm>>) dst(%arg8 : memref<79x128xi32, #tpu.memory_space<vmem>>)
      tpu.yield
    }) : () -> ()
    %barrier3A = arith.constant 0 : index
    tpu.barrier barrier_id(%barrier3A)
    %scan3A = arith.constant 0 : i32
    %scan3A_7 = arith.constant 0 : i32
    %scan3A_8 = arith.constant 79 : i32
    %scan3A_9 = arith.addi %scan3A_7, %scan3A_8 : i32
    %scan3A_10 = arith.constant 1 : i32
    scf.for %scan3A_17 = %scan3A_7 to %scan3A_9 step %scan3A_10  : i32 {
      %dma_start3A = arith.constant 0 : i32
      %dma_start3A_18 = tpu.memref_slice %arg7[%scan3A_17, %dma_start3A] : memref<79x128xi32, #tpu.memory_space<vmem>> -> memref<1x128xi32, #tpu.memory_space<vmem>>
      %dma_start3A_19 = tpu.memref_squeeze %dma_start3A_18 : memref<1x128xi32, #tpu.memory_space<vmem>> -> memref<128xi32, #tpu.memory_space<vmem>>
      %dma_start3A_20 = arith.constant 0 : i32
      %dma_start3A_21 = arith.constant 0 : i32
      %dma_start3A_22 = tpu.memref_slice %arg10[%dma_start3A_20, %dma_start3A_21] : memref<10000x64xf32, #tpu.memory_space<vmem_shared>> -> memref<10000x64xf32, #tpu.memory_space<vmem_shared>>
      tpu.enqueue_indirect_dma source(%dma_start3A_22 : memref<10000x64xf32, #tpu.memory_space<vmem_shared>>) target(%arg9 : memref<128x64xf32, #tpu.memory_space<vmem>>) offsets(%dma_start3A_19 : memref<128xi32, #tpu.memory_space<vmem>>) semaphore(%arg12 : memref<!tpu.dma_semaphore, #tpu.memory_space<semaphore_mem>>)
      %dma_wait3A = arith.constant 0 : i32
      %dma_wait3A_23 = tpu.memref_slice %arg7[%scan3A_17, %dma_wait3A] : memref<79x128xi32, #tpu.memory_space<vmem>> -> memref<1x128xi32, #tpu.memory_space<vmem>>
      %dma_wait3A_24 = tpu.memref_squeeze %dma_wait3A_23 : memref<1x128xi32, #tpu.memory_space<vmem>> -> memref<128xi32, #tpu.memory_space<vmem>>
      %dma_wait3A_25 = arith.constant 0 : i32
      %dma_wait3A_26 = arith.constant 0 : i32
      %dma_wait3A_27 = tpu.memref_slice %arg10[%dma_wait3A_25, %dma_wait3A_26] : memref<10000x64xf32, #tpu.memory_space<vmem_shared>> -> memref<10000x64xf32, #tpu.memory_space<vmem_shared>>
      tpu.wait_indirect_dma semaphore(%arg12 : memref<!tpu.dma_semaphore, #tpu.memory_space<semaphore_mem>>) src(%dma_wait3A_27 : memref<10000x64xf32, #tpu.memory_space<vmem_shared>>) dst(%arg9 : memref<128x64xf32, #tpu.memory_space<vmem>>)
      "tpu.region"() ({
        %run_scoped3A = tpu.sem_alloc : memref<!tpu.dma_semaphore, #tpu.memory_space<semaphore_mem>>
        %dma_start3A_28 = arith.constant 0 : i32
        %dma_start3A_29 = tpu.memref_slice %arg8[%scan3A_17, %dma_start3A_28] : memref<79x128xi32, #tpu.memory_space<vmem>> -> memref<1x128xi32, #tpu.memory_space<vmem>>
        %dma_start3A_30 = tpu.memref_squeeze %dma_start3A_29 : memref<1x128xi32, #tpu.memory_space<vmem>> -> memref<128xi32, #tpu.memory_space<vmem>>
        %dma_start3A_31 = arith.constant 0 : i32
        %dma_start3A_32 = arith.constant 0 : i32
        %dma_start3A_33 = tpu.memref_slice %arg11[%dma_start3A_31, %dma_start3A_32] : memref<10112x64xf32, #tpu.memory_space<vmem_shared>> -> memref<10112x64xf32, #tpu.memory_space<vmem_shared>>
        tpu.enqueue_indirect_dma source(%arg9 : memref<128x64xf32, #tpu.memory_space<vmem>>) target(%dma_start3A_33 : memref<10112x64xf32, #tpu.memory_space<vmem_shared>>) offsets(%dma_start3A_30 : memref<128xi32, #tpu.memory_space<vmem>>) semaphore(%run_scoped3A : memref<!tpu.dma_semaphore, #tpu.memory_space<semaphore_mem>>) {add = true}
        %dma_wait3A_34 = arith.constant 0 : i32
        %dma_wait3A_35 = tpu.memref_slice %arg8[%scan3A_17, %dma_wait3A_34] : memref<79x128xi32, #tpu.memory_space<vmem>> -> memref<1x128xi32, #tpu.memory_space<vmem>>
        %dma_wait3A_36 = tpu.memref_squeeze %dma_wait3A_35 : memref<1x128xi32, #tpu.memory_space<vmem>> -> memref<128xi32, #tpu.memory_space<vmem>>
        %dma_wait3A_37 = arith.constant 0 : i32
        %dma_wait3A_38 = arith.constant 0 : i32
        %dma_wait3A_39 = tpu.memref_slice %arg11[%dma_wait3A_37, %dma_wait3A_38] : memref<10112x64xf32, #tpu.memory_space<vmem_shared>> -> memref<10112x64xf32, #tpu.memory_space<vmem_shared>>
        tpu.wait_indirect_dma semaphore(%run_scoped3A : memref<!tpu.dma_semaphore, #tpu.memory_space<semaphore_mem>>) src(%arg9 : memref<128x64xf32, #tpu.memory_space<vmem>>) dst(%dma_wait3A_39 : memref<10112x64xf32, #tpu.memory_space<vmem_shared>>)
        tpu.yield
      }) : () -> ()
    }
    %scan3A_11 = arith.constant 79 : i32
    %barrier3A_12 = arith.constant 0 : index
    tpu.barrier barrier_id(%barrier3A_12)
    %mul3A_13 = arith.constant 632 : i32
    %mul3A_14 = arith.muli %arg1, %mul3A_13 : i32
    %mul3A_15 = arith.constant 632 : i32
    %mul3A_16 = arith.muli %arg1, %mul3A_15 : i32
    "tpu.region"() ({
      %run_scoped3A = tpu.sem_alloc : memref<!tpu.dma_semaphore, #tpu.memory_space<semaphore_mem>>
      %dma_start3A = arith.constant 0 : i32
      %dma_start3A_17 = tpu.memref_slice %arg6[%arg0, %mul3A_16, %dma_start3A] : memref<2x10112x64xf32, #tpu.memory_space<hbm>> -> memref<1x632x64xf32, #tpu.memory_space<hbm>>
      %dma_start3A_18 = tpu.memref_squeeze %dma_start3A_17 : memref<1x632x64xf32, #tpu.memory_space<hbm>> -> memref<632x64xf32, #tpu.memory_space<hbm>>
      %dma_start3A_19 = arith.constant 0 : i32
      %dma_start3A_20 = tpu.memref_slice %arg11[%mul3A_14, %dma_start3A_19] : memref<10112x64xf32, #tpu.memory_space<vmem_shared>> -> memref<632x64xf32, #tpu.memory_space<vmem_shared>>
      tpu.enqueue_dma source(%dma_start3A_20 : memref<632x64xf32, #tpu.memory_space<vmem_shared>>) target(%dma_start3A_18 : memref<632x64xf32, #tpu.memory_space<hbm>>) target_semaphore(%run_scoped3A : memref<!tpu.dma_semaphore, #tpu.memory_space<semaphore_mem>>)
      %dma_wait3A = arith.constant 0 : i32
      %dma_wait3A_21 = tpu.memref_slice %arg6[%arg0, %mul3A_16, %dma_wait3A] : memref<2x10112x64xf32, #tpu.memory_space<hbm>> -> memref<1x632x64xf32, #tpu.memory_space<hbm>>
      %dma_wait3A_22 = tpu.memref_squeeze %dma_wait3A_21 : memref<1x632x64xf32, #tpu.memory_space<hbm>> -> memref<632x64xf32, #tpu.memory_space<hbm>>
      %dma_wait3A_23 = arith.constant 0 : i32
      %dma_wait3A_24 = tpu.memref_slice %arg11[%mul3A_14, %dma_wait3A_23] : memref<10112x64xf32, #tpu.memory_space<vmem_shared>> -> memref<632x64xf32, #tpu.memory_space<vmem_shared>>
      tpu.wait_dma2 semaphore(%run_scoped3A : memref<!tpu.dma_semaphore, #tpu.memory_space<semaphore_mem>>) src(%dma_wait3A_24 : memref<632x64xf32, #tpu.memory_space<vmem_shared>>) dst(%dma_wait3A_22 : memref<632x64xf32, #tpu.memory_space<hbm>>)
      tpu.yield
    }) : () -> ()
    return
  }
}

#map = affine_map<(d0, d1) -> (0, 0)>
#map1 = affine_map<(d0, d1) -> (0, 0, 0)>
module attributes {stable_mosaic.version = 14 : i64} {
  func.func @agg(%arg0: i32, %arg1: i32, %arg2: memref<10000x16xf32, #tpu.memory_space<hbm>>, %arg3: memref<32x79x128xi32, #tpu.memory_space<hbm>>, %arg4: memref<32x79x128xi32, #tpu.memory_space<hbm>>, %arg5: memref<632x16xf32, #tpu.memory_space<hbm>>, %arg6: memref<2x10112x16xf32, #tpu.memory_space<hbm>>, %arg7: memref<79x128xi32, #tpu.memory_space<vmem>>, %arg8: memref<79x128xi32, #tpu.memory_space<vmem>>, %arg9: memref<128x16xf32, #tpu.memory_space<vmem>>, %arg10: memref<10000x16xf32, #tpu.memory_space<vmem_shared>>, %arg11: memref<10112x16xf32, #tpu.memory_space<vmem_shared>>, %arg12: memref<!tpu.dma_semaphore, #tpu.memory_space<semaphore_mem>>) attributes {dimension_semantics = [#tpu.dimension_semantics<core_parallel>, #tpu.dimension_semantics<subcore_parallel>], iteration_bounds = array<i64: 2, 16>, scalar_prefetch = 0 : i64, scratch_operands = 6 : i64, tpu.core_type = #tpu.core_type<sc_vector_subcore>, window_params = [{transform_indices = #map}, {transform_indices = #map1}, {transform_indices = #map1}, {transform_indices = #map}, {transform_indices = #map1}]} {
    %mul3A = arith.constant 2 : i32
    %mul3A_0 = arith.muli %arg1, %mul3A : i32
    %add3A = arith.addi %mul3A_0, %arg0 : i32
    %mul3A_1 = arith.constant 632 : i32
    %mul3A_2 = arith.muli %arg1, %mul3A_1 : i32
    "tpu.region"() ({
      %run_scoped3A = tpu.sem_alloc : memref<!tpu.dma_semaphore, #tpu.memory_space<semaphore_mem>>
      %dma_start3A = arith.constant 0 : i32
      %dma_start3A_17 = tpu.memref_slice %arg11[%mul3A_2, %dma_start3A] : memref<10112x16xf32, #tpu.memory_space<vmem_shared>> -> memref<632x16xf32, #tpu.memory_space<vmem_shared>>
      tpu.enqueue_dma source(%arg5 : memref<632x16xf32, #tpu.memory_space<hbm>>) target(%dma_start3A_17 : memref<632x16xf32, #tpu.memory_space<vmem_shared>>) target_semaphore(%run_scoped3A : memref<!tpu.dma_semaphore, #tpu.memory_space<semaphore_mem>>)
      %dma_wait3A = arith.constant 0 : i32
      %dma_wait3A_18 = tpu.memref_slice %arg11[%mul3A_2, %dma_wait3A] : memref<10112x16xf32, #tpu.memory_space<vmem_shared>> -> memref<632x16xf32, #tpu.memory_space<vmem_shared>>
      tpu.wait_dma2 semaphore(%run_scoped3A : memref<!tpu.dma_semaphore, #tpu.memory_space<semaphore_mem>>) src(%arg5 : memref<632x16xf32, #tpu.memory_space<hbm>>) dst(%dma_wait3A_18 : memref<632x16xf32, #tpu.memory_space<vmem_shared>>)
      tpu.yield
    }) : () -> ()
    %mul3A_3 = arith.constant 625 : i32
    %mul3A_4 = arith.muli %arg1, %mul3A_3 : i32
    %mul3A_5 = arith.constant 625 : i32
    %mul3A_6 = arith.muli %arg1, %mul3A_5 : i32
    "tpu.region"() ({
      %run_scoped3A = tpu.sem_alloc : memref<!tpu.dma_semaphore, #tpu.memory_space<semaphore_mem>>
      %dma_start3A = arith.constant 0 : i32
      %dma_start3A_17 = tpu.memref_slice %arg10[%mul3A_6, %dma_start3A] : memref<10000x16xf32, #tpu.memory_space<vmem_shared>> -> memref<625x16xf32, #tpu.memory_space<vmem_shared>>
      %dma_start3A_18 = arith.constant 0 : i32
      %dma_start3A_19 = tpu.memref_slice %arg2[%mul3A_4, %dma_start3A_18] : memref<10000x16xf32, #tpu.memory_space<hbm>> -> memref<625x16xf32, #tpu.memory_space<hbm>>
      tpu.enqueue_dma source(%dma_start3A_19 : memref<625x16xf32, #tpu.memory_space<hbm>>) target(%dma_start3A_17 : memref<625x16xf32, #tpu.memory_space<vmem_shared>>) target_semaphore(%run_scoped3A : memref<!tpu.dma_semaphore, #tpu.memory_space<semaphore_mem>>)
      %dma_wait3A = arith.constant 0 : i32
      %dma_wait3A_20 = tpu.memref_slice %arg10[%mul3A_6, %dma_wait3A] : memref<10000x16xf32, #tpu.memory_space<vmem_shared>> -> memref<625x16xf32, #tpu.memory_space<vmem_shared>>
      %dma_wait3A_21 = arith.constant 0 : i32
      %dma_wait3A_22 = tpu.memref_slice %arg2[%mul3A_4, %dma_wait3A_21] : memref<10000x16xf32, #tpu.memory_space<hbm>> -> memref<625x16xf32, #tpu.memory_space<hbm>>
      tpu.wait_dma2 semaphore(%run_scoped3A : memref<!tpu.dma_semaphore, #tpu.memory_space<semaphore_mem>>) src(%dma_wait3A_22 : memref<625x16xf32, #tpu.memory_space<hbm>>) dst(%dma_wait3A_20 : memref<625x16xf32, #tpu.memory_space<vmem_shared>>)
      tpu.yield
    }) : () -> ()
    "tpu.region"() ({
      %run_scoped3A = tpu.sem_alloc : memref<!tpu.dma_semaphore, #tpu.memory_space<semaphore_mem>>
      %dma_start3A = arith.constant 0 : i32
      %dma_start3A_17 = arith.constant 0 : i32
      %dma_start3A_18 = tpu.memref_slice %arg3[%add3A, %dma_start3A, %dma_start3A_17] : memref<32x79x128xi32, #tpu.memory_space<hbm>> -> memref<1x79x128xi32, #tpu.memory_space<hbm>>
      %dma_start3A_19 = tpu.memref_squeeze %dma_start3A_18 : memref<1x79x128xi32, #tpu.memory_space<hbm>> -> memref<79x128xi32, #tpu.memory_space<hbm>>
      %dma_start3A_20 = arith.constant 0 : i32
      %dma_start3A_21 = arith.constant 0 : i32
      %dma_start3A_22 = tpu.memref_slice %arg3[%add3A, %dma_start3A_20, %dma_start3A_21] : memref<32x79x128xi32, #tpu.memory_space<hbm>> -> memref<1x79x128xi32, #tpu.memory_space<hbm>>
      %dma_start3A_23 = tpu.memref_squeeze %dma_start3A_22 : memref<1x79x128xi32, #tpu.memory_space<hbm>> -> memref<79x128xi32, #tpu.memory_space<hbm>>
      tpu.enqueue_dma source(%dma_start3A_23 : memref<79x128xi32, #tpu.memory_space<hbm>>) target(%arg7 : memref<79x128xi32, #tpu.memory_space<vmem>>) target_semaphore(%run_scoped3A : memref<!tpu.dma_semaphore, #tpu.memory_space<semaphore_mem>>)
      %dma_wait3A = arith.constant 0 : i32
      %dma_wait3A_24 = arith.constant 0 : i32
      %dma_wait3A_25 = tpu.memref_slice %arg3[%add3A, %dma_wait3A, %dma_wait3A_24] : memref<32x79x128xi32, #tpu.memory_space<hbm>> -> memref<1x79x128xi32, #tpu.memory_space<hbm>>
      %dma_wait3A_26 = tpu.memref_squeeze %dma_wait3A_25 : memref<1x79x128xi32, #tpu.memory_space<hbm>> -> memref<79x128xi32, #tpu.memory_space<hbm>>
      %dma_wait3A_27 = arith.constant 0 : i32
      %dma_wait3A_28 = arith.constant 0 : i32
      %dma_wait3A_29 = tpu.memref_slice %arg3[%add3A, %dma_wait3A_27, %dma_wait3A_28] : memref<32x79x128xi32, #tpu.memory_space<hbm>> -> memref<1x79x128xi32, #tpu.memory_space<hbm>>
      %dma_wait3A_30 = tpu.memref_squeeze %dma_wait3A_29 : memref<1x79x128xi32, #tpu.memory_space<hbm>> -> memref<79x128xi32, #tpu.memory_space<hbm>>
      tpu.wait_dma2 semaphore(%run_scoped3A : memref<!tpu.dma_semaphore, #tpu.memory_space<semaphore_mem>>) src(%dma_wait3A_30 : memref<79x128xi32, #tpu.memory_space<hbm>>) dst(%arg7 : memref<79x128xi32, #tpu.memory_space<vmem>>)
      tpu.yield
    }) : () -> ()
    "tpu.region"() ({
      %run_scoped3A = tpu.sem_alloc : memref<!tpu.dma_semaphore, #tpu.memory_space<semaphore_mem>>
      %dma_start3A = arith.constant 0 : i32
      %dma_start3A_17 = arith.constant 0 : i32
      %dma_start3A_18 = tpu.memref_slice %arg4[%add3A, %dma_start3A, %dma_start3A_17] : memref<32x79x128xi32, #tpu.memory_space<hbm>> -> memref<1x79x128xi32, #tpu.memory_space<hbm>>
      %dma_start3A_19 = tpu.memref_squeeze %dma_start3A_18 : memref<1x79x128xi32, #tpu.memory_space<hbm>> -> memref<79x128xi32, #tpu.memory_space<hbm>>
      %dma_start3A_20 = arith.constant 0 : i32
      %dma_start3A_21 = arith.constant 0 : i32
      %dma_start3A_22 = tpu.memref_slice %arg4[%add3A, %dma_start3A_20, %dma_start3A_21] : memref<32x79x128xi32, #tpu.memory_space<hbm>> -> memref<1x79x128xi32, #tpu.memory_space<hbm>>
      %dma_start3A_23 = tpu.memref_squeeze %dma_start3A_22 : memref<1x79x128xi32, #tpu.memory_space<hbm>> -> memref<79x128xi32, #tpu.memory_space<hbm>>
      tpu.enqueue_dma source(%dma_start3A_23 : memref<79x128xi32, #tpu.memory_space<hbm>>) target(%arg8 : memref<79x128xi32, #tpu.memory_space<vmem>>) target_semaphore(%run_scoped3A : memref<!tpu.dma_semaphore, #tpu.memory_space<semaphore_mem>>)
      %dma_wait3A = arith.constant 0 : i32
      %dma_wait3A_24 = arith.constant 0 : i32
      %dma_wait3A_25 = tpu.memref_slice %arg4[%add3A, %dma_wait3A, %dma_wait3A_24] : memref<32x79x128xi32, #tpu.memory_space<hbm>> -> memref<1x79x128xi32, #tpu.memory_space<hbm>>
      %dma_wait3A_26 = tpu.memref_squeeze %dma_wait3A_25 : memref<1x79x128xi32, #tpu.memory_space<hbm>> -> memref<79x128xi32, #tpu.memory_space<hbm>>
      %dma_wait3A_27 = arith.constant 0 : i32
      %dma_wait3A_28 = arith.constant 0 : i32
      %dma_wait3A_29 = tpu.memref_slice %arg4[%add3A, %dma_wait3A_27, %dma_wait3A_28] : memref<32x79x128xi32, #tpu.memory_space<hbm>> -> memref<1x79x128xi32, #tpu.memory_space<hbm>>
      %dma_wait3A_30 = tpu.memref_squeeze %dma_wait3A_29 : memref<1x79x128xi32, #tpu.memory_space<hbm>> -> memref<79x128xi32, #tpu.memory_space<hbm>>
      tpu.wait_dma2 semaphore(%run_scoped3A : memref<!tpu.dma_semaphore, #tpu.memory_space<semaphore_mem>>) src(%dma_wait3A_30 : memref<79x128xi32, #tpu.memory_space<hbm>>) dst(%arg8 : memref<79x128xi32, #tpu.memory_space<vmem>>)
      tpu.yield
    }) : () -> ()
    %barrier3A = arith.constant 0 : index
    tpu.barrier barrier_id(%barrier3A)
    %scan3A = arith.constant 0 : i32
    %scan3A_7 = arith.constant 0 : i32
    %scan3A_8 = arith.constant 79 : i32
    %scan3A_9 = arith.addi %scan3A_7, %scan3A_8 : i32
    %scan3A_10 = arith.constant 1 : i32
    scf.for %scan3A_17 = %scan3A_7 to %scan3A_9 step %scan3A_10  : i32 {
      %dma_start3A = arith.constant 0 : i32
      %dma_start3A_18 = tpu.memref_slice %arg7[%scan3A_17, %dma_start3A] : memref<79x128xi32, #tpu.memory_space<vmem>> -> memref<1x128xi32, #tpu.memory_space<vmem>>
      %dma_start3A_19 = tpu.memref_squeeze %dma_start3A_18 : memref<1x128xi32, #tpu.memory_space<vmem>> -> memref<128xi32, #tpu.memory_space<vmem>>
      %dma_start3A_20 = arith.constant 0 : i32
      %dma_start3A_21 = arith.constant 0 : i32
      %dma_start3A_22 = tpu.memref_slice %arg10[%dma_start3A_20, %dma_start3A_21] : memref<10000x16xf32, #tpu.memory_space<vmem_shared>> -> memref<10000x16xf32, #tpu.memory_space<vmem_shared>>
      tpu.enqueue_indirect_dma source(%dma_start3A_22 : memref<10000x16xf32, #tpu.memory_space<vmem_shared>>) target(%arg9 : memref<128x16xf32, #tpu.memory_space<vmem>>) offsets(%dma_start3A_19 : memref<128xi32, #tpu.memory_space<vmem>>) semaphore(%arg12 : memref<!tpu.dma_semaphore, #tpu.memory_space<semaphore_mem>>)
      %dma_wait3A = arith.constant 0 : i32
      %dma_wait3A_23 = tpu.memref_slice %arg7[%scan3A_17, %dma_wait3A] : memref<79x128xi32, #tpu.memory_space<vmem>> -> memref<1x128xi32, #tpu.memory_space<vmem>>
      %dma_wait3A_24 = tpu.memref_squeeze %dma_wait3A_23 : memref<1x128xi32, #tpu.memory_space<vmem>> -> memref<128xi32, #tpu.memory_space<vmem>>
      %dma_wait3A_25 = arith.constant 0 : i32
      %dma_wait3A_26 = arith.constant 0 : i32
      %dma_wait3A_27 = tpu.memref_slice %arg10[%dma_wait3A_25, %dma_wait3A_26] : memref<10000x16xf32, #tpu.memory_space<vmem_shared>> -> memref<10000x16xf32, #tpu.memory_space<vmem_shared>>
      tpu.wait_indirect_dma semaphore(%arg12 : memref<!tpu.dma_semaphore, #tpu.memory_space<semaphore_mem>>) src(%dma_wait3A_27 : memref<10000x16xf32, #tpu.memory_space<vmem_shared>>) dst(%arg9 : memref<128x16xf32, #tpu.memory_space<vmem>>)
      "tpu.region"() ({
        %run_scoped3A = tpu.sem_alloc : memref<!tpu.dma_semaphore, #tpu.memory_space<semaphore_mem>>
        %dma_start3A_28 = arith.constant 0 : i32
        %dma_start3A_29 = tpu.memref_slice %arg8[%scan3A_17, %dma_start3A_28] : memref<79x128xi32, #tpu.memory_space<vmem>> -> memref<1x128xi32, #tpu.memory_space<vmem>>
        %dma_start3A_30 = tpu.memref_squeeze %dma_start3A_29 : memref<1x128xi32, #tpu.memory_space<vmem>> -> memref<128xi32, #tpu.memory_space<vmem>>
        %dma_start3A_31 = arith.constant 0 : i32
        %dma_start3A_32 = arith.constant 0 : i32
        %dma_start3A_33 = tpu.memref_slice %arg11[%dma_start3A_31, %dma_start3A_32] : memref<10112x16xf32, #tpu.memory_space<vmem_shared>> -> memref<10112x16xf32, #tpu.memory_space<vmem_shared>>
        tpu.enqueue_indirect_dma source(%arg9 : memref<128x16xf32, #tpu.memory_space<vmem>>) target(%dma_start3A_33 : memref<10112x16xf32, #tpu.memory_space<vmem_shared>>) offsets(%dma_start3A_30 : memref<128xi32, #tpu.memory_space<vmem>>) semaphore(%run_scoped3A : memref<!tpu.dma_semaphore, #tpu.memory_space<semaphore_mem>>) {add = true}
        %dma_wait3A_34 = arith.constant 0 : i32
        %dma_wait3A_35 = tpu.memref_slice %arg8[%scan3A_17, %dma_wait3A_34] : memref<79x128xi32, #tpu.memory_space<vmem>> -> memref<1x128xi32, #tpu.memory_space<vmem>>
        %dma_wait3A_36 = tpu.memref_squeeze %dma_wait3A_35 : memref<1x128xi32, #tpu.memory_space<vmem>> -> memref<128xi32, #tpu.memory_space<vmem>>
        %dma_wait3A_37 = arith.constant 0 : i32
        %dma_wait3A_38 = arith.constant 0 : i32
        %dma_wait3A_39 = tpu.memref_slice %arg11[%dma_wait3A_37, %dma_wait3A_38] : memref<10112x16xf32, #tpu.memory_space<vmem_shared>> -> memref<10112x16xf32, #tpu.memory_space<vmem_shared>>
        tpu.wait_indirect_dma semaphore(%run_scoped3A : memref<!tpu.dma_semaphore, #tpu.memory_space<semaphore_mem>>) src(%arg9 : memref<128x16xf32, #tpu.memory_space<vmem>>) dst(%dma_wait3A_39 : memref<10112x16xf32, #tpu.memory_space<vmem_shared>>)
        tpu.yield
      }) : () -> ()
    }
    %scan3A_11 = arith.constant 79 : i32
    %barrier3A_12 = arith.constant 0 : index
    tpu.barrier barrier_id(%barrier3A_12)
    %mul3A_13 = arith.constant 632 : i32
    %mul3A_14 = arith.muli %arg1, %mul3A_13 : i32
    %mul3A_15 = arith.constant 632 : i32
    %mul3A_16 = arith.muli %arg1, %mul3A_15 : i32
    "tpu.region"() ({
      %run_scoped3A = tpu.sem_alloc : memref<!tpu.dma_semaphore, #tpu.memory_space<semaphore_mem>>
      %dma_start3A = arith.constant 0 : i32
      %dma_start3A_17 = tpu.memref_slice %arg6[%arg0, %mul3A_16, %dma_start3A] : memref<2x10112x16xf32, #tpu.memory_space<hbm>> -> memref<1x632x16xf32, #tpu.memory_space<hbm>>
      %dma_start3A_18 = tpu.memref_squeeze %dma_start3A_17 : memref<1x632x16xf32, #tpu.memory_space<hbm>> -> memref<632x16xf32, #tpu.memory_space<hbm>>
      %dma_start3A_19 = arith.constant 0 : i32
      %dma_start3A_20 = tpu.memref_slice %arg11[%mul3A_14, %dma_start3A_19] : memref<10112x16xf32, #tpu.memory_space<vmem_shared>> -> memref<632x16xf32, #tpu.memory_space<vmem_shared>>
      tpu.enqueue_dma source(%dma_start3A_20 : memref<632x16xf32, #tpu.memory_space<vmem_shared>>) target(%dma_start3A_18 : memref<632x16xf32, #tpu.memory_space<hbm>>) target_semaphore(%run_scoped3A : memref<!tpu.dma_semaphore, #tpu.memory_space<semaphore_mem>>)
      %dma_wait3A = arith.constant 0 : i32
      %dma_wait3A_21 = tpu.memref_slice %arg6[%arg0, %mul3A_16, %dma_wait3A] : memref<2x10112x16xf32, #tpu.memory_space<hbm>> -> memref<1x632x16xf32, #tpu.memory_space<hbm>>
      %dma_wait3A_22 = tpu.memref_squeeze %dma_wait3A_21 : memref<1x632x16xf32, #tpu.memory_space<hbm>> -> memref<632x16xf32, #tpu.memory_space<hbm>>
      %dma_wait3A_23 = arith.constant 0 : i32
      %dma_wait3A_24 = tpu.memref_slice %arg11[%mul3A_14, %dma_wait3A_23] : memref<10112x16xf32, #tpu.memory_space<vmem_shared>> -> memref<632x16xf32, #tpu.memory_space<vmem_shared>>
      tpu.wait_dma2 semaphore(%run_scoped3A : memref<!tpu.dma_semaphore, #tpu.memory_space<semaphore_mem>>) src(%dma_wait3A_24 : memref<632x16xf32, #tpu.memory_space<vmem_shared>>) dst(%dma_wait3A_22 : memref<632x16xf32, #tpu.memory_space<hbm>>)
      tpu.yield
    }) : () -> ()
    return
  }
}

#map = affine_map<(d0, d1) -> (0, 0)>
#map1 = affine_map<(d0, d1) -> (0, 0, 0)>
module attributes {stable_mosaic.version = 14 : i64} {
  func.func @_sc_lp_sqdist(%arg0: i32, %arg1: i32, %arg2: memref<10000x16xf32, #tpu.memory_space<hbm>>, %arg3: memref<32x25x128xi32, #tpu.memory_space<hbm>>, %arg4: memref<32x25x128xi32, #tpu.memory_space<hbm>>, %arg5: memref<102400x16xf32, #tpu.memory_space<hbm>>, %arg6: memref<25x128xi32, #tpu.memory_space<vmem>>, %arg7: memref<25x128xi32, #tpu.memory_space<vmem>>, %arg8: memref<128x16xf32, #tpu.memory_space<vmem>>, %arg9: memref<128x16xf32, #tpu.memory_space<vmem>>, %arg10: memref<128x16xf32, #tpu.memory_space<vmem>>, %arg11: memref<10000x16xf32, #tpu.memory_space<vmem_shared>>, %arg12: memref<!tpu.dma_semaphore, #tpu.memory_space<semaphore_mem>>, %arg13: memref<!tpu.dma_semaphore, #tpu.memory_space<semaphore_mem>>) attributes {dimension_semantics = [#tpu.dimension_semantics<core_parallel>, #tpu.dimension_semantics<subcore_parallel>], iteration_bounds = array<i64: 2, 16>, scalar_prefetch = 0 : i64, scratch_operands = 8 : i64, tpu.core_type = #tpu.core_type<sc_vector_subcore>, window_params = [{transform_indices = #map}, {transform_indices = #map1}, {transform_indices = #map1}, {transform_indices = #map}]} {
    %mul3A = arith.constant 2 : i32
    %mul3A_0 = arith.muli %arg1, %mul3A : i32
    %add3A = arith.addi %mul3A_0, %arg0 : i32
    %mul3A_1 = arith.constant 3200 : i32
    %mul3A_2 = arith.muli %add3A, %mul3A_1 : i32
    %mul3A_3 = arith.constant 625 : i32
    %mul3A_4 = arith.muli %arg1, %mul3A_3 : i32
    %mul3A_5 = arith.constant 625 : i32
    %mul3A_6 = arith.muli %arg1, %mul3A_5 : i32
    "tpu.region"() ({
      %run_scoped3A = tpu.sem_alloc : memref<!tpu.dma_semaphore, #tpu.memory_space<semaphore_mem>>
      %dma_start3A = arith.constant 0 : i32
      %dma_start3A_12 = tpu.memref_slice %arg11[%mul3A_6, %dma_start3A] : memref<10000x16xf32, #tpu.memory_space<vmem_shared>> -> memref<625x16xf32, #tpu.memory_space<vmem_shared>>
      %dma_start3A_13 = arith.constant 0 : i32
      %dma_start3A_14 = tpu.memref_slice %arg2[%mul3A_4, %dma_start3A_13] : memref<10000x16xf32, #tpu.memory_space<hbm>> -> memref<625x16xf32, #tpu.memory_space<hbm>>
      tpu.enqueue_dma source(%dma_start3A_14 : memref<625x16xf32, #tpu.memory_space<hbm>>) target(%dma_start3A_12 : memref<625x16xf32, #tpu.memory_space<vmem_shared>>) target_semaphore(%run_scoped3A : memref<!tpu.dma_semaphore, #tpu.memory_space<semaphore_mem>>)
      %dma_wait3A = arith.constant 0 : i32
      %dma_wait3A_15 = tpu.memref_slice %arg11[%mul3A_6, %dma_wait3A] : memref<10000x16xf32, #tpu.memory_space<vmem_shared>> -> memref<625x16xf32, #tpu.memory_space<vmem_shared>>
      %dma_wait3A_16 = arith.constant 0 : i32
      %dma_wait3A_17 = tpu.memref_slice %arg2[%mul3A_4, %dma_wait3A_16] : memref<10000x16xf32, #tpu.memory_space<hbm>> -> memref<625x16xf32, #tpu.memory_space<hbm>>
      tpu.wait_dma2 semaphore(%run_scoped3A : memref<!tpu.dma_semaphore, #tpu.memory_space<semaphore_mem>>) src(%dma_wait3A_17 : memref<625x16xf32, #tpu.memory_space<hbm>>) dst(%dma_wait3A_15 : memref<625x16xf32, #tpu.memory_space<vmem_shared>>)
      tpu.yield
    }) : () -> ()
    "tpu.region"() ({
      %run_scoped3A = tpu.sem_alloc : memref<!tpu.dma_semaphore, #tpu.memory_space<semaphore_mem>>
      %dma_start3A = arith.constant 0 : i32
      %dma_start3A_12 = arith.constant 0 : i32
      %dma_start3A_13 = tpu.memref_slice %arg3[%add3A, %dma_start3A, %dma_start3A_12] : memref<32x25x128xi32, #tpu.memory_space<hbm>> -> memref<1x25x128xi32, #tpu.memory_space<hbm>>
      %dma_start3A_14 = tpu.memref_squeeze %dma_start3A_13 : memref<1x25x128xi32, #tpu.memory_space<hbm>> -> memref<25x128xi32, #tpu.memory_space<hbm>>
      %dma_start3A_15 = arith.constant 0 : i32
      %dma_start3A_16 = arith.constant 0 : i32
      %dma_start3A_17 = tpu.memref_slice %arg3[%add3A, %dma_start3A_15, %dma_start3A_16] : memref<32x25x128xi32, #tpu.memory_space<hbm>> -> memref<1x25x128xi32, #tpu.memory_space<hbm>>
      %dma_start3A_18 = tpu.memref_squeeze %dma_start3A_17 : memref<1x25x128xi32, #tpu.memory_space<hbm>> -> memref<25x128xi32, #tpu.memory_space<hbm>>
      tpu.enqueue_dma source(%dma_start3A_18 : memref<25x128xi32, #tpu.memory_space<hbm>>) target(%arg6 : memref<25x128xi32, #tpu.memory_space<vmem>>) target_semaphore(%run_scoped3A : memref<!tpu.dma_semaphore, #tpu.memory_space<semaphore_mem>>)
      %dma_wait3A = arith.constant 0 : i32
      %dma_wait3A_19 = arith.constant 0 : i32
      %dma_wait3A_20 = tpu.memref_slice %arg3[%add3A, %dma_wait3A, %dma_wait3A_19] : memref<32x25x128xi32, #tpu.memory_space<hbm>> -> memref<1x25x128xi32, #tpu.memory_space<hbm>>
      %dma_wait3A_21 = tpu.memref_squeeze %dma_wait3A_20 : memref<1x25x128xi32, #tpu.memory_space<hbm>> -> memref<25x128xi32, #tpu.memory_space<hbm>>
      %dma_wait3A_22 = arith.constant 0 : i32
      %dma_wait3A_23 = arith.constant 0 : i32
      %dma_wait3A_24 = tpu.memref_slice %arg3[%add3A, %dma_wait3A_22, %dma_wait3A_23] : memref<32x25x128xi32, #tpu.memory_space<hbm>> -> memref<1x25x128xi32, #tpu.memory_space<hbm>>
      %dma_wait3A_25 = tpu.memref_squeeze %dma_wait3A_24 : memref<1x25x128xi32, #tpu.memory_space<hbm>> -> memref<25x128xi32, #tpu.memory_space<hbm>>
      tpu.wait_dma2 semaphore(%run_scoped3A : memref<!tpu.dma_semaphore, #tpu.memory_space<semaphore_mem>>) src(%dma_wait3A_25 : memref<25x128xi32, #tpu.memory_space<hbm>>) dst(%arg6 : memref<25x128xi32, #tpu.memory_space<vmem>>)
      tpu.yield
    }) : () -> ()
    "tpu.region"() ({
      %run_scoped3A = tpu.sem_alloc : memref<!tpu.dma_semaphore, #tpu.memory_space<semaphore_mem>>
      %dma_start3A = arith.constant 0 : i32
      %dma_start3A_12 = arith.constant 0 : i32
      %dma_start3A_13 = tpu.memref_slice %arg4[%add3A, %dma_start3A, %dma_start3A_12] : memref<32x25x128xi32, #tpu.memory_space<hbm>> -> memref<1x25x128xi32, #tpu.memory_space<hbm>>
      %dma_start3A_14 = tpu.memref_squeeze %dma_start3A_13 : memref<1x25x128xi32, #tpu.memory_space<hbm>> -> memref<25x128xi32, #tpu.memory_space<hbm>>
      %dma_start3A_15 = arith.constant 0 : i32
      %dma_start3A_16 = arith.constant 0 : i32
      %dma_start3A_17 = tpu.memref_slice %arg4[%add3A, %dma_start3A_15, %dma_start3A_16] : memref<32x25x128xi32, #tpu.memory_space<hbm>> -> memref<1x25x128xi32, #tpu.memory_space<hbm>>
      %dma_start3A_18 = tpu.memref_squeeze %dma_start3A_17 : memref<1x25x128xi32, #tpu.memory_space<hbm>> -> memref<25x128xi32, #tpu.memory_space<hbm>>
      tpu.enqueue_dma source(%dma_start3A_18 : memref<25x128xi32, #tpu.memory_space<hbm>>) target(%arg7 : memref<25x128xi32, #tpu.memory_space<vmem>>) target_semaphore(%run_scoped3A : memref<!tpu.dma_semaphore, #tpu.memory_space<semaphore_mem>>)
      %dma_wait3A = arith.constant 0 : i32
      %dma_wait3A_19 = arith.constant 0 : i32
      %dma_wait3A_20 = tpu.memref_slice %arg4[%add3A, %dma_wait3A, %dma_wait3A_19] : memref<32x25x128xi32, #tpu.memory_space<hbm>> -> memref<1x25x128xi32, #tpu.memory_space<hbm>>
      %dma_wait3A_21 = tpu.memref_squeeze %dma_wait3A_20 : memref<1x25x128xi32, #tpu.memory_space<hbm>> -> memref<25x128xi32, #tpu.memory_space<hbm>>
      %dma_wait3A_22 = arith.constant 0 : i32
      %dma_wait3A_23 = arith.constant 0 : i32
      %dma_wait3A_24 = tpu.memref_slice %arg4[%add3A, %dma_wait3A_22, %dma_wait3A_23] : memref<32x25x128xi32, #tpu.memory_space<hbm>> -> memref<1x25x128xi32, #tpu.memory_space<hbm>>
      %dma_wait3A_25 = tpu.memref_squeeze %dma_wait3A_24 : memref<1x25x128xi32, #tpu.memory_space<hbm>> -> memref<25x128xi32, #tpu.memory_space<hbm>>
      tpu.wait_dma2 semaphore(%run_scoped3A : memref<!tpu.dma_semaphore, #tpu.memory_space<semaphore_mem>>) src(%dma_wait3A_25 : memref<25x128xi32, #tpu.memory_space<hbm>>) dst(%arg7 : memref<25x128xi32, #tpu.memory_space<vmem>>)
      tpu.yield
    }) : () -> ()
    %barrier3A = arith.constant 0 : index
    tpu.barrier barrier_id(%barrier3A)
    %scan3A = arith.constant 0 : i32
    %scan3A_7 = arith.constant 0 : i32
    %scan3A_8 = arith.constant 25 : i32
    %scan3A_9 = arith.addi %scan3A_7, %scan3A_8 : i32
    %scan3A_10 = arith.constant 1 : i32
    scf.for %scan3A_12 = %scan3A_7 to %scan3A_9 step %scan3A_10  : i32 {
      %dma_start3A = arith.constant 0 : i32
      %dma_start3A_13 = tpu.memref_slice %arg6[%scan3A_12, %dma_start3A] : memref<25x128xi32, #tpu.memory_space<vmem>> -> memref<1x128xi32, #tpu.memory_space<vmem>>
      %dma_start3A_14 = tpu.memref_squeeze %dma_start3A_13 : memref<1x128xi32, #tpu.memory_space<vmem>> -> memref<128xi32, #tpu.memory_space<vmem>>
      %dma_start3A_15 = arith.constant 0 : i32
      %dma_start3A_16 = arith.constant 0 : i32
      %dma_start3A_17 = tpu.memref_slice %arg11[%dma_start3A_15, %dma_start3A_16] : memref<10000x16xf32, #tpu.memory_space<vmem_shared>> -> memref<10000x16xf32, #tpu.memory_space<vmem_shared>>
      tpu.enqueue_indirect_dma source(%dma_start3A_17 : memref<10000x16xf32, #tpu.memory_space<vmem_shared>>) target(%arg8 : memref<128x16xf32, #tpu.memory_space<vmem>>) offsets(%dma_start3A_14 : memref<128xi32, #tpu.memory_space<vmem>>) semaphore(%arg12 : memref<!tpu.dma_semaphore, #tpu.memory_space<semaphore_mem>>)
      %dma_start3A_18 = arith.constant 0 : i32
      %dma_start3A_19 = tpu.memref_slice %arg7[%scan3A_12, %dma_start3A_18] : memref<25x128xi32, #tpu.memory_space<vmem>> -> memref<1x128xi32, #tpu.memory_space<vmem>>
      %dma_start3A_20 = tpu.memref_squeeze %dma_start3A_19 : memref<1x128xi32, #tpu.memory_space<vmem>> -> memref<128xi32, #tpu.memory_space<vmem>>
      %dma_start3A_21 = arith.constant 0 : i32
      %dma_start3A_22 = arith.constant 0 : i32
      %dma_start3A_23 = tpu.memref_slice %arg11[%dma_start3A_21, %dma_start3A_22] : memref<10000x16xf32, #tpu.memory_space<vmem_shared>> -> memref<10000x16xf32, #tpu.memory_space<vmem_shared>>
      tpu.enqueue_indirect_dma source(%dma_start3A_23 : memref<10000x16xf32, #tpu.memory_space<vmem_shared>>) target(%arg9 : memref<128x16xf32, #tpu.memory_space<vmem>>) offsets(%dma_start3A_20 : memref<128xi32, #tpu.memory_space<vmem>>) semaphore(%arg13 : memref<!tpu.dma_semaphore, #tpu.memory_space<semaphore_mem>>)
      %dma_wait3A = arith.constant 0 : i32
      %dma_wait3A_24 = tpu.memref_slice %arg6[%scan3A_12, %dma_wait3A] : memref<25x128xi32, #tpu.memory_space<vmem>> -> memref<1x128xi32, #tpu.memory_space<vmem>>
      %dma_wait3A_25 = tpu.memref_squeeze %dma_wait3A_24 : memref<1x128xi32, #tpu.memory_space<vmem>> -> memref<128xi32, #tpu.memory_space<vmem>>
      %dma_wait3A_26 = arith.constant 0 : i32
      %dma_wait3A_27 = arith.constant 0 : i32
      %dma_wait3A_28 = tpu.memref_slice %arg11[%dma_wait3A_26, %dma_wait3A_27] : memref<10000x16xf32, #tpu.memory_space<vmem_shared>> -> memref<10000x16xf32, #tpu.memory_space<vmem_shared>>
      tpu.wait_indirect_dma semaphore(%arg12 : memref<!tpu.dma_semaphore, #tpu.memory_space<semaphore_mem>>) src(%dma_wait3A_28 : memref<10000x16xf32, #tpu.memory_space<vmem_shared>>) dst(%arg8 : memref<128x16xf32, #tpu.memory_space<vmem>>)
      %dma_wait3A_29 = arith.constant 0 : i32
      %dma_wait3A_30 = tpu.memref_slice %arg7[%scan3A_12, %dma_wait3A_29] : memref<25x128xi32, #tpu.memory_space<vmem>> -> memref<1x128xi32, #tpu.memory_space<vmem>>
      %dma_wait3A_31 = tpu.memref_squeeze %dma_wait3A_30 : memref<1x128xi32, #tpu.memory_space<vmem>> -> memref<128xi32, #tpu.memory_space<vmem>>
      %dma_wait3A_32 = arith.constant 0 : i32
      %dma_wait3A_33 = arith.constant 0 : i32
      %dma_wait3A_34 = tpu.memref_slice %arg11[%dma_wait3A_32, %dma_wait3A_33] : memref<10000x16xf32, #tpu.memory_space<vmem_shared>> -> memref<10000x16xf32, #tpu.memory_space<vmem_shared>>
      tpu.wait_indirect_dma semaphore(%arg13 : memref<!tpu.dma_semaphore, #tpu.memory_space<semaphore_mem>>) src(%dma_wait3A_34 : memref<10000x16xf32, #tpu.memory_space<vmem_shared>>) dst(%arg9 : memref<128x16xf32, #tpu.memory_space<vmem>>)
      %scan3A_35 = arith.constant 0 : i32
      %scan3A_36 = arith.constant 0 : i32
      %scan3A_37 = arith.constant 128 : i32
      %scan3A_38 = arith.addi %scan3A_36, %scan3A_37 : i32
      %scan3A_39 = arith.constant 1 : i32
      scf.for %scan3A_44 = %scan3A_36 to %scan3A_38 step %scan3A_39  : i32 {
        %get3A = arith.index_cast %scan3A_44 : i32 to index
        %get3A_45 = arith.constant 0 : index
        %get3A_46 = tpu.vector_load %arg8[%get3A, %get3A_45] {strides = array<i32>} : memref<128x16xf32, #tpu.memory_space<vmem>>, vector<1x16xf32>,
        %get3A_47 = vector.shape_cast %get3A_46 : vector<1x16xf32> to vector<16xf32>
        %get3A_48 = arith.index_cast %scan3A_44 : i32 to index
        %get3A_49 = arith.constant 0 : index
        %get3A_50 = tpu.vector_load %arg9[%get3A_48, %get3A_49] {strides = array<i32>} : memref<128x16xf32, #tpu.memory_space<vmem>>, vector<1x16xf32>,
        %get3A_51 = vector.shape_cast %get3A_50 : vector<1x16xf32> to vector<16xf32>
        %sub3A = arith.subf %get3A_47, %get3A_51 : vector<16xf32>
        %mul3A_52 = arith.mulf %sub3A, %sub3A : vector<16xf32>
        %swap3A = arith.index_cast %scan3A_44 : i32 to index
        %swap3A_53 = arith.constant 0 : index
        %swap3A_54 = tpu.vector_load %arg10[%swap3A, %swap3A_53] {strides = array<i32>} : memref<128x16xf32, #tpu.memory_space<vmem>>, vector<1x16xf32>,
        %swap3A_55 = vector.shape_cast %swap3A_54 : vector<1x16xf32> to vector<16xf32>
        %swap3A_56 = vector.shape_cast %mul3A_52 : vector<16xf32> to vector<1x16xf32>
        tpu.vector_store %arg10[%swap3A, %swap3A_53], %swap3A_56 {strides = array<i32>} : memref<128x16xf32, #tpu.memory_space<vmem>>, vector<1x16xf32>,
      }
      %scan3A_40 = arith.constant 128 : i32
      %mul3A_41 = arith.constant 128 : i32
      %mul3A_42 = arith.muli %scan3A_12, %mul3A_41 : i32
      %add3A_43 = arith.addi %mul3A_2, %mul3A_42 : i32
      "tpu.region"() ({
        %run_scoped3A = tpu.sem_alloc : memref<!tpu.dma_semaphore, #tpu.memory_space<semaphore_mem>>
        %dma_start3A_44 = arith.constant 0 : i32
        %dma_start3A_45 = tpu.memref_slice %arg5[%add3A_43, %dma_start3A_44] : memref<102400x16xf32, #tpu.memory_space<hbm>> -> memref<128x16xf32, #tpu.memory_space<hbm>>
        %dma_start3A_46 = arith.constant 0 : i32
        %dma_start3A_47 = tpu.memref_slice %arg5[%add3A_43, %dma_start3A_46] : memref<102400x16xf32, #tpu.memory_space<hbm>> -> memref<128x16xf32, #tpu.memory_space<hbm>>
        tpu.enqueue_dma source(%arg10 : memref<128x16xf32, #tpu.memory_space<vmem>>) target(%dma_start3A_47 : memref<128x16xf32, #tpu.memory_space<hbm>>) target_semaphore(%run_scoped3A : memref<!tpu.dma_semaphore, #tpu.memory_space<semaphore_mem>>)
        %dma_wait3A_48 = arith.constant 0 : i32
        %dma_wait3A_49 = tpu.memref_slice %arg5[%add3A_43, %dma_wait3A_48] : memref<102400x16xf32, #tpu.memory_space<hbm>> -> memref<128x16xf32, #tpu.memory_space<hbm>>
        %dma_wait3A_50 = arith.constant 0 : i32
        %dma_wait3A_51 = tpu.memref_slice %arg5[%add3A_43, %dma_wait3A_50] : memref<102400x16xf32, #tpu.memory_space<hbm>> -> memref<128x16xf32, #tpu.memory_space<hbm>>
        tpu.wait_dma2 semaphore(%run_scoped3A : memref<!tpu.dma_semaphore, #tpu.memory_space<semaphore_mem>>) src(%arg10 : memref<128x16xf32, #tpu.memory_space<vmem>>) dst(%dma_wait3A_51 : memref<128x16xf32, #tpu.memory_space<hbm>>)
        tpu.yield
      }) : () -> ()
    }
    %scan3A_11 = arith.constant 25 : i32
    return
  }
}

module attributes {stable_mosaic.version = 14 : i64} {
  func.func @_tc_encode1_body(%arg0: i32, %arg1: memref<2x2000x16xf32, #tpu.memory_space<vmem>>, %arg2: memref<2000x128xf32, #tpu.memory_space<vmem>>, %arg3: memref<128x128xf32, #tpu.memory_space<vmem>>, %arg4: memref<2000x64xf32, #tpu.memory_space<vmem>>, %arg5: memref<2000x64xf32, #tpu.memory_space<vmem>>) attributes {dimension_semantics = [#tpu.dimension_semantics<arbitrary>], iteration_bounds = array<i64: 5>, scalar_prefetch = 0 : i64, scratch_operands = 0 : i64, tpu.core_type = #tpu.core_type<tc>, window_params = [{transform_indices = @transform_0, window_bounds = array<i64: 2, 2000, 16>}, {transform_indices = @transform_1, window_bounds = array<i64: 2000, 128>}, {pipeline_mode = #tpu.pipeline_mode<synchronous>, transform_indices = @transform_2, window_bounds = array<i64: 128, 128>}, {transform_indices = @transform_3, window_bounds = array<i64: 2000, 64>}, {transform_indices = @transform_4, window_bounds = array<i64: 2000, 64>}]} {
    %get3A = arith.constant 0 : index
    %get3A_0 = arith.constant 0 : index
    %get3A_1 = arith.constant 0 : index
    %get3A_2 = vector.load %arg1[%get3A, %get3A_0, %get3A_1] : memref<2x2000x16xf32, #tpu.memory_space<vmem>>, vector<2x2000x16xf32>
    %slice3A = vector.extract_strided_slice %get3A_2 {offsets = [0, 0, 0], sizes = [1, 2000, 1], strides = [1, 1, 1]} : vector<2x2000x16xf32> to vector<1x2000x1xf32>
    %squeeze3A = vector.shape_cast %slice3A : vector<1x2000x1xf32> to vector<2000xf32>
    %slice3A_3 = vector.extract_strided_slice %get3A_2 {offsets = [1, 0, 0], sizes = [1, 2000, 1], strides = [1, 1, 1]} : vector<2x2000x16xf32> to vector<1x2000x1xf32>
    %squeeze3A_4 = vector.shape_cast %slice3A_3 : vector<1x2000x1xf32> to vector<2000xf32>
    %add3A = arith.addf %squeeze3A, %squeeze3A_4 : vector<2000xf32>
    %add3A_5 = arith.constant 1.000000e+00 : f32
    %add3A_6 = vector.broadcast %add3A_5 : f32 to vector<2000xf32>
    %add3A_7 = arith.addf %add3A, %add3A_6 : vector<2000xf32>
    %max3A = arith.constant 1.000000e+00 : f32
    %max3A_8 = vector.broadcast %max3A : f32 to vector<2000xf32>
    %max3A_9 = arith.maximumf %add3A_7, %max3A_8 : vector<2000xf32>
    %rsqrt3A = math.rsqrt %max3A_9 : vector<2000xf32>
    %get3A_10 = arith.constant 0 : index
    %get3A_11 = arith.constant 0 : index
    %get3A_12 = vector.load %arg2[%get3A_10, %get3A_11] : memref<2000x128xf32, #tpu.memory_space<vmem>>, vector<2000x128xf32>
    %get3A_13 = arith.constant 0 : index
    %get3A_14 = arith.constant 0 : index
    %get3A_15 = vector.load %arg3[%get3A_13, %get3A_14] : memref<128x128xf32, #tpu.memory_space<vmem>>, vector<128x128xf32>
    %dot_general3A = arith.constant dense<0.000000e+00> : vector<2000x128xf32>
    %dot_general3A_16 = tpu.matmul %get3A_12, %get3A_15, %dot_general3A {dimension_numbers = #tpu.dot_dimension_numbers<[1], [0], [0], [1], [0, 0, 1, 1], [], []>, transpose_lhs_hint = false} : vector<2000x128xf32>, vector<128x128xf32>, vector<2000x128xf32> -> vector<2000x128xf32>
    %broadcast_in_dim3A = vector.shape_cast %rsqrt3A : vector<2000xf32> to vector<2000x1xf32>
    %mul3A = vector.broadcast %broadcast_in_dim3A : vector<2000x1xf32> to vector<2000x128xf32>
    %mul3A_17 = arith.mulf %dot_general3A_16, %mul3A : vector<2000x128xf32>
    %slice3A_18 = vector.extract_strided_slice %mul3A_17 {offsets = [0, 0], sizes = [2000, 64], strides = [1, 1]} : vector<2000x128xf32> to vector<2000x64xf32>
    %swap3A = arith.constant 0 : index
    %swap3A_19 = arith.constant 0 : index
    %swap3A_20 = vector.load %arg4[%swap3A, %swap3A_19] : memref<2000x64xf32, #tpu.memory_space<vmem>>, vector<2000x64xf32>
    tpu.vector_store %arg4[%swap3A, %swap3A_19], %slice3A_18 {strides = array<i32>} : memref<2000x64xf32, #tpu.memory_space<vmem>>, vector<2000x64xf32>,
    %slice3A_21 = vector.extract_strided_slice %mul3A_17 {offsets = [0, 64], sizes = [2000, 64], strides = [1, 1]} : vector<2000x128xf32> to vector<2000x64xf32>
    %swap3A_22 = arith.constant 0 : index
    %swap3A_23 = arith.constant 0 : index
    %swap3A_24 = vector.load %arg5[%swap3A_22, %swap3A_23] : memref<2000x64xf32, #tpu.memory_space<vmem>>, vector<2000x64xf32>
    tpu.vector_store %arg5[%swap3A_22, %swap3A_23], %slice3A_21 {strides = array<i32>} : memref<2000x64xf32, #tpu.memory_space<vmem>>, vector<2000x64xf32>,
    return
  }
  func.func @transform_0(%arg0: i32) -> (i32, i32, i32) {
    %c0_i32 = arith.constant 0 : i32
    %c0_i32_0 = arith.constant 0 : i32
    %c0_i32_1 = arith.constant 0 : i32
    return %c0_i32, %arg0, %c0_i32_0 : i32, i32, i32
  }
  func.func @transform_1(%arg0: i32) -> (i32, i32) {
    %c0_i32 = arith.constant 0 : i32
    %c0_i32_0 = arith.constant 0 : i32
    return %arg0, %c0_i32 : i32, i32
  }
  func.func @transform_2(%arg0: i32) -> (i32, i32) {
    %c0_i32 = arith.constant 0 : i32
    %c0_i32_0 = arith.constant 0 : i32
    %c0_i32_1 = arith.constant 0 : i32
    return %c0_i32, %c0_i32_0 : i32, i32
  }
  func.func @transform_3(%arg0: i32) -> (i32, i32) {
    %c0_i32 = arith.constant 0 : i32
    %c0_i32_0 = arith.constant 0 : i32
    return %arg0, %c0_i32 : i32, i32
  }
  func.func @transform_4(%arg0: i32) -> (i32, i32) {
    %c0_i32 = arith.constant 0 : i32
    %c0_i32_0 = arith.constant 0 : i32
    return %arg0, %c0_i32 : i32, i32
  }
}

module attributes {stable_mosaic.version = 14 : i64} {
  func.func @_tc_encode2_body(%arg0: i32, %arg1: memref<2x2000x16xf32, #tpu.memory_space<vmem>>, %arg2: memref<2x2000x64xf32, #tpu.memory_space<vmem>>, %arg3: memref<2x2000x64xf32, #tpu.memory_space<vmem>>, %arg4: memref<2000x64xf32, #tpu.memory_space<vmem>>, %arg5: memref<2000x64xf32, #tpu.memory_space<vmem>>, %arg6: memref<128x16xf32, #tpu.memory_space<vmem>>, %arg7: memref<1x128xf32, #tpu.memory_space<vmem>>, %arg8: memref<2000x16xf32, #tpu.memory_space<vmem>>) attributes {dimension_semantics = [#tpu.dimension_semantics<arbitrary>], iteration_bounds = array<i64: 5>, scalar_prefetch = 0 : i64, scratch_operands = 0 : i64, tpu.core_type = #tpu.core_type<tc>, window_params = [{transform_indices = @transform_0, window_bounds = array<i64: 2, 2000, 16>}, {transform_indices = @transform_1, window_bounds = array<i64: 2, 2000, 64>}, {transform_indices = @transform_2, window_bounds = array<i64: 2, 2000, 64>}, {transform_indices = @transform_3, window_bounds = array<i64: 2000, 64>}, {transform_indices = @transform_4, window_bounds = array<i64: 2000, 64>}, {pipeline_mode = #tpu.pipeline_mode<synchronous>, transform_indices = @transform_5, window_bounds = array<i64: 128, 16>}, {pipeline_mode = #tpu.pipeline_mode<synchronous>, transform_indices = @transform_6, window_bounds = array<i64: 1, 128>}, {transform_indices = @transform_7, window_bounds = array<i64: 2000, 16>}]} {
    %get3A = arith.constant 0 : index
    %get3A_0 = arith.constant 0 : index
    %get3A_1 = arith.constant 0 : index
    %get3A_2 = vector.load %arg1[%get3A, %get3A_0, %get3A_1] : memref<2x2000x16xf32, #tpu.memory_space<vmem>>, vector<2x2000x16xf32>
    %slice3A = vector.extract_strided_slice %get3A_2 {offsets = [0, 0, 0], sizes = [1, 2000, 1], strides = [1, 1, 1]} : vector<2x2000x16xf32> to vector<1x2000x1xf32>
    %squeeze3A = vector.shape_cast %slice3A : vector<1x2000x1xf32> to vector<2000xf32>
    %slice3A_3 = vector.extract_strided_slice %get3A_2 {offsets = [1, 0, 0], sizes = [1, 2000, 1], strides = [1, 1, 1]} : vector<2x2000x16xf32> to vector<1x2000x1xf32>
    %squeeze3A_4 = vector.shape_cast %slice3A_3 : vector<1x2000x1xf32> to vector<2000xf32>
    %add3A = arith.addf %squeeze3A, %squeeze3A_4 : vector<2000xf32>
    %add3A_5 = arith.constant 1.000000e+00 : f32
    %add3A_6 = vector.broadcast %add3A_5 : f32 to vector<2000xf32>
    %add3A_7 = arith.addf %add3A, %add3A_6 : vector<2000xf32>
    %max3A = arith.constant 1.000000e+00 : f32
    %max3A_8 = vector.broadcast %max3A : f32 to vector<2000xf32>
    %max3A_9 = arith.maximumf %add3A_7, %max3A_8 : vector<2000xf32>
    %rsqrt3A = math.rsqrt %max3A_9 : vector<2000xf32>
    %get3A_10 = arith.constant 0 : index
    %get3A_11 = arith.constant 0 : index
    %get3A_12 = arith.constant 0 : index
    %get3A_13 = vector.load %arg2[%get3A_10, %get3A_11, %get3A_12] : memref<2x2000x64xf32, #tpu.memory_space<vmem>>, vector<1x2000x64xf32>
    %get3A_14 = vector.shape_cast %get3A_13 : vector<1x2000x64xf32> to vector<2000x64xf32>
    %get3A_15 = arith.constant 1 : index
    %get3A_16 = arith.constant 0 : index
    %get3A_17 = arith.constant 0 : index
    %get3A_18 = vector.load %arg2[%get3A_15, %get3A_16, %get3A_17] : memref<2x2000x64xf32, #tpu.memory_space<vmem>>, vector<1x2000x64xf32>
    %get3A_19 = vector.shape_cast %get3A_18 : vector<1x2000x64xf32> to vector<2000x64xf32>
    %add3A_20 = arith.addf %get3A_14, %get3A_19 : vector<2000x64xf32>
    %get3A_21 = arith.constant 0 : index
    %get3A_22 = arith.constant 0 : index
    %get3A_23 = vector.load %arg4[%get3A_21, %get3A_22] : memref<2000x64xf32, #tpu.memory_space<vmem>>, vector<2000x64xf32>
    %add3A_24 = arith.addf %add3A_20, %get3A_23 : vector<2000x64xf32>
    %get3A_25 = arith.constant 0 : index
    %get3A_26 = arith.constant 0 : index
    %get3A_27 = arith.constant 0 : index
    %get3A_28 = vector.load %arg3[%get3A_25, %get3A_26, %get3A_27] : memref<2x2000x64xf32, #tpu.memory_space<vmem>>, vector<1x2000x64xf32>
    %get3A_29 = vector.shape_cast %get3A_28 : vector<1x2000x64xf32> to vector<2000x64xf32>
    %get3A_30 = arith.constant 1 : index
    %get3A_31 = arith.constant 0 : index
    %get3A_32 = arith.constant 0 : index
    %get3A_33 = vector.load %arg3[%get3A_30, %get3A_31, %get3A_32] : memref<2x2000x64xf32, #tpu.memory_space<vmem>>, vector<1x2000x64xf32>
    %get3A_34 = vector.shape_cast %get3A_33 : vector<1x2000x64xf32> to vector<2000x64xf32>
    %add3A_35 = arith.addf %get3A_29, %get3A_34 : vector<2000x64xf32>
    %get3A_36 = arith.constant 0 : index
    %get3A_37 = arith.constant 0 : index
    %get3A_38 = vector.load %arg5[%get3A_36, %get3A_37] : memref<2000x64xf32, #tpu.memory_space<vmem>>, vector<2000x64xf32>
    %add3A_39 = arith.addf %add3A_35, %get3A_38 : vector<2000x64xf32>
    %concatenate3A = tpu.concatenate %add3A_24, %add3A_39 in 1 : vector<2000x64xf32>, vector<2000x64xf32> -> vector<2000x128xf32>
    %broadcast_in_dim3A = vector.shape_cast %rsqrt3A : vector<2000xf32> to vector<2000x1xf32>
    %mul3A = vector.broadcast %broadcast_in_dim3A : vector<2000x1xf32> to vector<2000x128xf32>
    %mul3A_40 = arith.mulf %concatenate3A, %mul3A : vector<2000x128xf32>
    %get3A_41 = arith.constant 0 : index
    %get3A_42 = arith.constant 0 : index
    %get3A_43 = vector.load %arg7[%get3A_41, %get3A_42] : memref<1x128xf32, #tpu.memory_space<vmem>>, vector<1x128xf32>
    %add3A_44 = vector.broadcast %get3A_43 : vector<1x128xf32> to vector<2000x128xf32>
    %add3A_45 = arith.addf %mul3A_40, %add3A_44 : vector<2000x128xf32>
    %max3A_46 = arith.constant 0.000000e+00 : f32
    %max3A_47 = vector.broadcast %max3A_46 : f32 to vector<2000x128xf32>
    %max3A_48 = arith.maximumf %add3A_45, %max3A_47 : vector<2000x128xf32>
    %get3A_49 = arith.constant 0 : index
    %get3A_50 = arith.constant 0 : index
    %get3A_51 = vector.load %arg6[%get3A_49, %get3A_50] : memref<128x16xf32, #tpu.memory_space<vmem>>, vector<128x16xf32>
    %dot_general3A = arith.constant dense<0.000000e+00> : vector<2000x16xf32>
    %dot_general3A_52 = tpu.matmul %max3A_48, %get3A_51, %dot_general3A {dimension_numbers = #tpu.dot_dimension_numbers<[1], [0], [0], [1], [0, 0, 1, 1], [], []>, transpose_lhs_hint = false} : vector<2000x128xf32>, vector<128x16xf32>, vector<2000x16xf32> -> vector<2000x16xf32>
    %broadcast_in_dim3A_53 = vector.shape_cast %rsqrt3A : vector<2000xf32> to vector<2000x1xf32>
    %mul3A_54 = vector.broadcast %broadcast_in_dim3A_53 : vector<2000x1xf32> to vector<2000x16xf32>
    %mul3A_55 = arith.mulf %dot_general3A_52, %mul3A_54 : vector<2000x16xf32>
    %swap3A = arith.constant 0 : index
    %swap3A_56 = arith.constant 0 : index
    %swap3A_57 = vector.load %arg8[%swap3A, %swap3A_56] : memref<2000x16xf32, #tpu.memory_space<vmem>>, vector<2000x16xf32>
    tpu.vector_store %arg8[%swap3A, %swap3A_56], %mul3A_55 {strides = array<i32>} : memref<2000x16xf32, #tpu.memory_space<vmem>>, vector<2000x16xf32>,
    return
  }
  func.func @transform_0(%arg0: i32) -> (i32, i32, i32) {
    %c0_i32 = arith.constant 0 : i32
    %c0_i32_0 = arith.constant 0 : i32
    %c0_i32_1 = arith.constant 0 : i32
    return %c0_i32, %arg0, %c0_i32_0 : i32, i32, i32
  }
  func.func @transform_1(%arg0: i32) -> (i32, i32, i32) {
    %c0_i32 = arith.constant 0 : i32
    %c0_i32_0 = arith.constant 0 : i32
    %c0_i32_1 = arith.constant 0 : i32
    return %c0_i32, %arg0, %c0_i32_0 : i32, i32, i32
  }
  func.func @transform_2(%arg0: i32) -> (i32, i32, i32) {
    %c0_i32 = arith.constant 0 : i32
    %c0_i32_0 = arith.constant 0 : i32
    %c0_i32_1 = arith.constant 0 : i32
    return %c0_i32, %arg0, %c0_i32_0 : i32, i32, i32
  }
  func.func @transform_3(%arg0: i32) -> (i32, i32) {
    %c0_i32 = arith.constant 0 : i32
    %c0_i32_0 = arith.constant 0 : i32
    return %arg0, %c0_i32 : i32, i32
  }
  func.func @transform_4(%arg0: i32) -> (i32, i32) {
    %c0_i32 = arith.constant 0 : i32
    %c0_i32_0 = arith.constant 0 : i32
    return %arg0, %c0_i32 : i32, i32
  }
  func.func @transform_5(%arg0: i32) -> (i32, i32) {
    %c0_i32 = arith.constant 0 : i32
    %c0_i32_0 = arith.constant 0 : i32
    %c0_i32_1 = arith.constant 0 : i32
    return %c0_i32, %c0_i32_0 : i32, i32
  }
  func.func @transform_6(%arg0: i32) -> (i32, i32) {
    %c0_i32 = arith.constant 0 : i32
    %c0_i32_0 = arith.constant 0 : i32
    %c0_i32_1 = arith.constant 0 : i32
    return %c0_i32, %c0_i32_0 : i32, i32
  }
  func.func @transform_7(%arg0: i32) -> (i32, i32) {
    %c0_i32 = arith.constant 0 : i32
    %c0_i32_0 = arith.constant 0 : i32
    return %arg0, %c0_i32 : i32, i32
  }
}

module attributes {stable_mosaic.version = 14 : i64} {
  func.func @_tc_emb_body(%arg0: i32, %arg1: memref<2x2000x16xf32, #tpu.memory_space<vmem>>, %arg2: memref<2x2000x16xf32, #tpu.memory_space<vmem>>, %arg3: memref<2000x16xf32, #tpu.memory_space<vmem>>, %arg4: memref<1x16xf32, #tpu.memory_space<vmem>>, %arg5: memref<2000x16xf32, #tpu.memory_space<vmem>>) attributes {dimension_semantics = [#tpu.dimension_semantics<arbitrary>], iteration_bounds = array<i64: 5>, scalar_prefetch = 0 : i64, scratch_operands = 0 : i64, tpu.core_type = #tpu.core_type<tc>, window_params = [{transform_indices = @transform_0, window_bounds = array<i64: 2, 2000, 16>}, {transform_indices = @transform_1, window_bounds = array<i64: 2, 2000, 16>}, {transform_indices = @transform_2, window_bounds = array<i64: 2000, 16>}, {pipeline_mode = #tpu.pipeline_mode<synchronous>, transform_indices = @transform_3, window_bounds = array<i64: 1, 16>}, {transform_indices = @transform_4, window_bounds = array<i64: 2000, 16>}]} {
    %get3A = arith.constant 0 : index
    %get3A_0 = arith.constant 0 : index
    %get3A_1 = arith.constant 0 : index
    %get3A_2 = vector.load %arg1[%get3A, %get3A_0, %get3A_1] : memref<2x2000x16xf32, #tpu.memory_space<vmem>>, vector<2x2000x16xf32>
    %slice3A = vector.extract_strided_slice %get3A_2 {offsets = [0, 0, 0], sizes = [1, 2000, 1], strides = [1, 1, 1]} : vector<2x2000x16xf32> to vector<1x2000x1xf32>
    %squeeze3A = vector.shape_cast %slice3A : vector<1x2000x1xf32> to vector<2000xf32>
    %slice3A_3 = vector.extract_strided_slice %get3A_2 {offsets = [1, 0, 0], sizes = [1, 2000, 1], strides = [1, 1, 1]} : vector<2x2000x16xf32> to vector<1x2000x1xf32>
    %squeeze3A_4 = vector.shape_cast %slice3A_3 : vector<1x2000x1xf32> to vector<2000xf32>
    %add3A = arith.addf %squeeze3A, %squeeze3A_4 : vector<2000xf32>
    %add3A_5 = arith.constant 1.000000e+00 : f32
    %add3A_6 = vector.broadcast %add3A_5 : f32 to vector<2000xf32>
    %add3A_7 = arith.addf %add3A, %add3A_6 : vector<2000xf32>
    %max3A = arith.constant 1.000000e+00 : f32
    %max3A_8 = vector.broadcast %max3A : f32 to vector<2000xf32>
    %max3A_9 = arith.maximumf %add3A_7, %max3A_8 : vector<2000xf32>
    %rsqrt3A = math.rsqrt %max3A_9 : vector<2000xf32>
    %get3A_10 = arith.constant 0 : index
    %get3A_11 = arith.constant 0 : index
    %get3A_12 = arith.constant 0 : index
    %get3A_13 = vector.load %arg2[%get3A_10, %get3A_11, %get3A_12] : memref<2x2000x16xf32, #tpu.memory_space<vmem>>, vector<1x2000x16xf32>
    %get3A_14 = vector.shape_cast %get3A_13 : vector<1x2000x16xf32> to vector<2000x16xf32>
    %get3A_15 = arith.constant 1 : index
    %get3A_16 = arith.constant 0 : index
    %get3A_17 = arith.constant 0 : index
    %get3A_18 = vector.load %arg2[%get3A_15, %get3A_16, %get3A_17] : memref<2x2000x16xf32, #tpu.memory_space<vmem>>, vector<1x2000x16xf32>
    %get3A_19 = vector.shape_cast %get3A_18 : vector<1x2000x16xf32> to vector<2000x16xf32>
    %add3A_20 = arith.addf %get3A_14, %get3A_19 : vector<2000x16xf32>
    %get3A_21 = arith.constant 0 : index
    %get3A_22 = arith.constant 0 : index
    %get3A_23 = vector.load %arg3[%get3A_21, %get3A_22] : memref<2000x16xf32, #tpu.memory_space<vmem>>, vector<2000x16xf32>
    %add3A_24 = arith.addf %add3A_20, %get3A_23 : vector<2000x16xf32>
    %broadcast_in_dim3A = vector.shape_cast %rsqrt3A : vector<2000xf32> to vector<2000x1xf32>
    %mul3A = vector.broadcast %broadcast_in_dim3A : vector<2000x1xf32> to vector<2000x16xf32>
    %mul3A_25 = arith.mulf %add3A_24, %mul3A : vector<2000x16xf32>
    %get3A_26 = arith.constant 0 : index
    %get3A_27 = arith.constant 0 : index
    %get3A_28 = vector.load %arg4[%get3A_26, %get3A_27] : memref<1x16xf32, #tpu.memory_space<vmem>>, vector<1x16xf32>
    %add3A_29 = vector.broadcast %get3A_28 : vector<1x16xf32> to vector<2000x16xf32>
    %add3A_30 = arith.addf %mul3A_25, %add3A_29 : vector<2000x16xf32>
    %max3A_31 = arith.constant 0.000000e+00 : f32
    %max3A_32 = vector.broadcast %max3A_31 : f32 to vector<2000x16xf32>
    %max3A_33 = arith.maximumf %add3A_30, %max3A_32 : vector<2000x16xf32>
    %mul3A_34 = arith.mulf %max3A_33, %max3A_33 : vector<2000x16xf32>
    %reduce_sum3A = arith.constant dense<0.000000e+00> : vector<2000xf32>
    %reduce_sum3A_35 = vector.multi_reduction <add>, %mul3A_34, %reduce_sum3A [1] : vector<2000x16xf32> to vector<2000xf32>
    %broadcast_in_dim3A_36 = vector.shape_cast %reduce_sum3A_35 : vector<2000xf32> to vector<2000x1xf32>
    %sqrt3A = math.sqrt %broadcast_in_dim3A_36 : vector<2000x1xf32>
    %gt3A = arith.constant 1.000000e+00 : f32
    %gt3A_37 = vector.broadcast %gt3A : f32 to vector<2000x1xf32>
    %gt3A_38 = arith.cmpf ogt, %sqrt3A, %gt3A_37 : vector<2000x1xf32>
    %add3A_39 = arith.constant 1.000000e-07 : f32
    %add3A_40 = vector.broadcast %add3A_39 : f32 to vector<2000x1xf32>
    %add3A_41 = arith.addf %sqrt3A, %add3A_40 : vector<2000x1xf32>
    %div3A = arith.constant 1.000000e+00 : f32
    %div3A_42 = vector.broadcast %div3A : f32 to vector<2000x1xf32>
    %div3A_43 = arith.divf %div3A_42, %add3A_41 : vector<2000x1xf32>
    %jit3A = arith.constant 1.000000e+00 : f32
    %broadcast_in_dim3A_44 = vector.broadcast %jit3A : f32 to vector<2000x1xf32>
    %select_n3A = arith.select %gt3A_38, %div3A_43, %broadcast_in_dim3A_44 : vector<2000x1xi1>, vector<2000x1xf32>
    %mul3A_45 = vector.broadcast %select_n3A : vector<2000x1xf32> to vector<2000x16xf32>
    %mul3A_46 = arith.mulf %max3A_33, %mul3A_45 : vector<2000x16xf32>
    %swap3A = arith.constant 0 : index
    %swap3A_47 = arith.constant 0 : index
    %swap3A_48 = vector.load %arg5[%swap3A, %swap3A_47] : memref<2000x16xf32, #tpu.memory_space<vmem>>, vector<2000x16xf32>
    tpu.vector_store %arg5[%swap3A, %swap3A_47], %mul3A_46 {strides = array<i32>} : memref<2000x16xf32, #tpu.memory_space<vmem>>, vector<2000x16xf32>,
    return
  }
  func.func @transform_0(%arg0: i32) -> (i32, i32, i32) {
    %c0_i32 = arith.constant 0 : i32
    %c0_i32_0 = arith.constant 0 : i32
    %c0_i32_1 = arith.constant 0 : i32
    return %c0_i32, %arg0, %c0_i32_0 : i32, i32, i32
  }
  func.func @transform_1(%arg0: i32) -> (i32, i32, i32) {
    %c0_i32 = arith.constant 0 : i32
    %c0_i32_0 = arith.constant 0 : i32
    %c0_i32_1 = arith.constant 0 : i32
    return %c0_i32, %arg0, %c0_i32_0 : i32, i32, i32
  }
  func.func @transform_2(%arg0: i32) -> (i32, i32) {
    %c0_i32 = arith.constant 0 : i32
    %c0_i32_0 = arith.constant 0 : i32
    return %arg0, %c0_i32 : i32, i32
  }
  func.func @transform_3(%arg0: i32) -> (i32, i32) {
    %c0_i32 = arith.constant 0 : i32
    %c0_i32_0 = arith.constant 0 : i32
    %c0_i32_1 = arith.constant 0 : i32
    return %c0_i32, %c0_i32_0 : i32, i32
  }
  func.func @transform_4(%arg0: i32) -> (i32, i32) {
    %c0_i32 = arith.constant 0 : i32
    %c0_i32_0 = arith.constant 0 : i32
    return %arg0, %c0_i32 : i32, i32
  }
}

module attributes {stable_mosaic.version = 14 : i64} {
  func.func @_tc_decode_body(%arg0: i32, %arg1: memref<5000x16xf32, #tpu.memory_space<vmem>>, %arg2: memref<5000x25xf32, #tpu.memory_space<vmem>>, %arg3: memref<16x25xf32, #tpu.memory_space<vmem>>, %arg4: memref<25x25xf32, #tpu.memory_space<vmem>>, %arg5: memref<1x25xf32, #tpu.memory_space<vmem>>, %arg6: memref<25x1xf32, #tpu.memory_space<vmem>>, %arg7: memref<1x1xf32, #tpu.memory_space<vmem>>, %arg8: memref<5000x1xf32, #tpu.memory_space<vmem>>) attributes {dimension_semantics = [#tpu.dimension_semantics<arbitrary>], iteration_bounds = array<i64: 20>, scalar_prefetch = 0 : i64, scratch_operands = 0 : i64, tpu.core_type = #tpu.core_type<tc>, window_params = [{transform_indices = @transform_0, window_bounds = array<i64: 5000, 16>}, {transform_indices = @transform_1, window_bounds = array<i64: 5000, 25>}, {pipeline_mode = #tpu.pipeline_mode<synchronous>, transform_indices = @transform_2, window_bounds = array<i64: 16, 25>}, {pipeline_mode = #tpu.pipeline_mode<synchronous>, transform_indices = @transform_3, window_bounds = array<i64: 25, 25>}, {pipeline_mode = #tpu.pipeline_mode<synchronous>, transform_indices = @transform_4, window_bounds = array<i64: 1, 25>}, {pipeline_mode = #tpu.pipeline_mode<synchronous>, transform_indices = @transform_5, window_bounds = array<i64: 25, 1>}, {pipeline_mode = #tpu.pipeline_mode<synchronous>, transform_indices = @transform_6, window_bounds = array<i64: 1, 1>}, {transform_indices = @transform_7, window_bounds = array<i64: 5000, 1>}]} {
    %get3A = arith.constant 0 : index
    %get3A_0 = arith.constant 0 : index
    %get3A_1 = vector.load %arg1[%get3A, %get3A_0] : memref<5000x16xf32, #tpu.memory_space<vmem>>, vector<5000x16xf32>
    %get3A_2 = arith.constant 0 : index
    %get3A_3 = arith.constant 0 : index
    %get3A_4 = vector.load %arg3[%get3A_2, %get3A_3] : memref<16x25xf32, #tpu.memory_space<vmem>>, vector<16x25xf32>
    %dot_general3A = arith.constant dense<0.000000e+00> : vector<5000x25xf32>
    %dot_general3A_5 = tpu.matmul %get3A_1, %get3A_4, %dot_general3A {dimension_numbers = #tpu.dot_dimension_numbers<[1], [0], [0], [1], [0, 0, 1, 1], [], []>, transpose_lhs_hint = false} : vector<5000x16xf32>, vector<16x25xf32>, vector<5000x25xf32> -> vector<5000x25xf32>
    %get3A_6 = arith.constant 0 : index
    %get3A_7 = arith.constant 0 : index
    %get3A_8 = vector.load %arg2[%get3A_6, %get3A_7] : memref<5000x25xf32, #tpu.memory_space<vmem>>, vector<5000x25xf32>
    %get3A_9 = arith.constant 0 : index
    %get3A_10 = arith.constant 0 : index
    %get3A_11 = vector.load %arg4[%get3A_9, %get3A_10] : memref<25x25xf32, #tpu.memory_space<vmem>>, vector<25x25xf32>
    %dot_general3A_12 = arith.constant dense<0.000000e+00> : vector<5000x25xf32>
    %dot_general3A_13 = tpu.matmul %get3A_8, %get3A_11, %dot_general3A_12 {dimension_numbers = #tpu.dot_dimension_numbers<[1], [0], [0], [1], [0, 0, 1, 1], [], []>, transpose_lhs_hint = false} : vector<5000x25xf32>, vector<25x25xf32>, vector<5000x25xf32> -> vector<5000x25xf32>
    %add3A = arith.addf %dot_general3A_5, %dot_general3A_13 : vector<5000x25xf32>
    %get3A_14 = arith.constant 0 : index
    %get3A_15 = arith.constant 0 : index
    %get3A_16 = vector.load %arg5[%get3A_14, %get3A_15] : memref<1x25xf32, #tpu.memory_space<vmem>>, vector<1x25xf32>
    %add3A_17 = vector.broadcast %get3A_16 : vector<1x25xf32> to vector<5000x25xf32>
    %add3A_18 = arith.addf %add3A, %add3A_17 : vector<5000x25xf32>
    %gt3A = arith.constant 0.000000e+00 : f32
    %gt3A_19 = vector.broadcast %gt3A : f32 to vector<5000x25xf32>
    %gt3A_20 = arith.cmpf ogt, %add3A_18, %gt3A_19 : vector<5000x25xf32>
    %mul3A = arith.constant 2.000000e-01 : f32
    %mul3A_21 = vector.broadcast %mul3A : f32 to vector<5000x25xf32>
    %mul3A_22 = arith.mulf %mul3A_21, %add3A_18 : vector<5000x25xf32>
    %select_n3A = arith.select %gt3A_20, %add3A_18, %mul3A_22 : vector<5000x25xi1>, vector<5000x25xf32>
    %get3A_23 = arith.constant 0 : index
    %get3A_24 = arith.constant 0 : index
    %get3A_25 = vector.load %arg6[%get3A_23, %get3A_24] : memref<25x1xf32, #tpu.memory_space<vmem>>, vector<25x1xf32>
    %dot_general3A_26 = arith.constant dense<0.000000e+00> : vector<5000x1xf32>
    %dot_general3A_27 = tpu.matmul %select_n3A, %get3A_25, %dot_general3A_26 {dimension_numbers = #tpu.dot_dimension_numbers<[1], [0], [0], [1], [0, 0, 1, 1], [], []>, transpose_lhs_hint = false} : vector<5000x25xf32>, vector<25x1xf32>, vector<5000x1xf32> -> vector<5000x1xf32>
    %squeeze3A = vector.shape_cast %dot_general3A_27 : vector<5000x1xf32> to vector<5000xf32>
    %get3A_28 = arith.constant 0 : index
    %get3A_29 = arith.constant 0 : index
    %get3A_30 = vector.load %arg7[%get3A_28, %get3A_29] : memref<1x1xf32, #tpu.memory_space<vmem>>, vector<1x1xf32>
    %get3A_31 = vector.extract %get3A_30[0, 0] : f32 from vector<1x1xf32>
    %add3A_32 = vector.broadcast %get3A_31 : f32 to vector<5000xf32>
    %add3A_33 = arith.addf %squeeze3A, %add3A_32 : vector<5000xf32>
    %abs3A = math.absf %add3A_33 : vector<5000xf32>
    %jit3A = arith.constant 0.000000e+00 : f32
    %jit3A_34 = arith.constant 4.000000e+01 : f32
    %max3A = vector.broadcast %jit3A : f32 to vector<5000xf32>
    %max3A_35 = arith.maximumf %max3A, %abs3A : vector<5000xf32>
    %min3A = vector.broadcast %jit3A_34 : f32 to vector<5000xf32>
    %min3A_36 = arith.minimumf %min3A, %max3A_35 : vector<5000xf32>
    %sub3A = arith.constant 2.000000e+00 : f32
    %sub3A_37 = vector.broadcast %sub3A : f32 to vector<5000xf32>
    %sub3A_38 = arith.subf %min3A_36, %sub3A_37 : vector<5000xf32>
    %exp3A = math.exp %sub3A_38 : vector<5000xf32>
    %add3A_39 = arith.constant 1.000000e+00 : f32
    %add3A_40 = vector.broadcast %add3A_39 : f32 to vector<5000xf32>
    %add3A_41 = arith.addf %exp3A, %add3A_40 : vector<5000xf32>
    %div3A = arith.constant 1.000000e+00 : f32
    %div3A_42 = vector.broadcast %div3A : f32 to vector<5000xf32>
    %div3A_43 = arith.divf %div3A_42, %add3A_41 : vector<5000xf32>
    %broadcast_in_dim3A = vector.shape_cast %div3A_43 : vector<5000xf32> to vector<5000x1xf32>
    %swap3A = arith.constant 0 : index
    %swap3A_44 = arith.constant 0 : index
    %swap3A_45 = vector.load %arg8[%swap3A, %swap3A_44] : memref<5000x1xf32, #tpu.memory_space<vmem>>, vector<5000x1xf32>
    tpu.vector_store %arg8[%swap3A, %swap3A_44], %broadcast_in_dim3A {strides = array<i32>} : memref<5000x1xf32, #tpu.memory_space<vmem>>, vector<5000x1xf32>,
    return
  }
  func.func @transform_0(%arg0: i32) -> (i32, i32) {
    %c0_i32 = arith.constant 0 : i32
    %c0_i32_0 = arith.constant 0 : i32
    return %arg0, %c0_i32 : i32, i32
  }
  func.func @transform_1(%arg0: i32) -> (i32, i32) {
    %c0_i32 = arith.constant 0 : i32
    %c0_i32_0 = arith.constant 0 : i32
    return %arg0, %c0_i32 : i32, i32
  }
  func.func @transform_2(%arg0: i32) -> (i32, i32) {
    %c0_i32 = arith.constant 0 : i32
    %c0_i32_0 = arith.constant 0 : i32
    %c0_i32_1 = arith.constant 0 : i32
    return %c0_i32, %c0_i32_0 : i32, i32
  }
  func.func @transform_3(%arg0: i32) -> (i32, i32) {
    %c0_i32 = arith.constant 0 : i32
    %c0_i32_0 = arith.constant 0 : i32
    %c0_i32_1 = arith.constant 0 : i32
    return %c0_i32, %c0_i32_0 : i32, i32
  }
  func.func @transform_4(%arg0: i32) -> (i32, i32) {
    %c0_i32 = arith.constant 0 : i32
    %c0_i32_0 = arith.constant 0 : i32
    %c0_i32_1 = arith.constant 0 : i32
    return %c0_i32, %c0_i32_0 : i32, i32
  }
  func.func @transform_5(%arg0: i32) -> (i32, i32) {
    %c0_i32 = arith.constant 0 : i32
    %c0_i32_0 = arith.constant 0 : i32
    %c0_i32_1 = arith.constant 0 : i32
    return %c0_i32, %c0_i32_0 : i32, i32
  }
  func.func @transform_6(%arg0: i32) -> (i32, i32) {
    %c0_i32 = arith.constant 0 : i32
    %c0_i32_0 = arith.constant 0 : i32
    %c0_i32_1 = arith.constant 0 : i32
    return %c0_i32, %c0_i32_0 : i32, i32
  }
  func.func @transform_7(%arg0: i32) -> (i32, i32) {
    %c0_i32 = arith.constant 0 : i32
    %c0_i32_0 = arith.constant 0 : i32
    return %arg0, %c0_i32 : i32, i32
  }
}

</mosaic_0001>

<sc_bundles>
// kernel: kernel.11.cloned.1.call-start
scs
__scs_entry_jumppad:
0x0: {  	(pc) =	sbr.rel $0x88, $3  }
0x1: {  	(tag) =	ssettag $0x0;
	lr =	simm.s32 $0x1  }
0x2: {  	[smem:$0x3F95] =	sst lr;
	_ =	strace $0xD0000000  }
0x3: {  	_ = 	snop  }
0x4: {  	_ = 	snop  }
0x5: {  	_ = 	snop  }
0x6: {  	_ = 	snop  }
0x7: {  	_ = 	snop  }
__scs_overlays_trampoline_lowered:
0x8: {  	[smem:$0x3FA4] =	sst s0  }
0x9: {  	[smem:$0x3FA5] =	sst s1  }
0xa: {  	[smem:$0x3FA6] =	sst s2  }
0xb: {  	[smem:$0x3FA7] =	sst s3  }
0xc: {  	[smem:$0x3FA8] =	sst s4  }
0xd: {  	[smem:$0x3FA9] =	sst s5  }
0xe: {  	[smem:$0x3FAA] =	sst s6  }
0xf: {  	[smem:$0x3FAB] =	sst s7  }
0x10: {  	[smem:$0x3FAC] =	sst s8  }
0x11: {  	[smem:$0x3FAD] =	sst s9;
	s0 =	simm.s32 @!p0 $0x0  }
0x12: {  	s1 =	sld [smem:$0x3F93];
	s0 =	simm.s32 @p0 $0x1  }
0x13: {  	[smem:$0x3FAE] =	sst s0;
	s0 =	simm.s32 @!p1 $0x0  }
0x14: {  	s2 =	sld [smem:$0x3F92];
	s0 =	simm.s32 @p1 $0x1  }
0x15: {  	[smem:$0x3FAF] =	sst s0;
	s0 =	simm.s32 @!p2 $0x0  }
0x16: {  	s3 =	sld [smem:$0x3FDB];
	s0 =	simm.s32 @p2 $0x1  }
0x17: {  	s4 =	simm.s32 $0x1BF5;
	[smem:$0x3FB1] =	sst s0  }
0x18: {  	s0 =	sld [smem:$0x3F94];
	_ =	swait.ge [sflag:s4], $0x0  }
0x19: {  	s7 =	sld [smem:$0x3F95]  }
0x1a: {  	s8 =	sadd.s32 $0xFFFFE003, lr  }
0x1b: {  	s9 =	sadd.s32 $0xFFFFFEF7, lr;
	s5 =	simm.s32 $0xFFFFFFFF;
	p2 =	slt.u32 s8, $0xFFFFF086  }
0x1c: {  	p1 =	slt.u32 s9, $0xF7A;
	s5 =	simm.s32 @!p2 $0x0  }
0x1d: {  	s5 =	simm.s32 @p1 $0x1;
	p0 =	seq.s32 s7, s2  }
0x1e: {  	s7 =	smul.u32 @!p0 $0xF7A, s2;
	p2 =	seq.s32 @!p0 s5, $0x0  }
0x1f: {  	s9 =	smul.u32 $0xF7A, s1;
	s8 =	simm.s32 @!p0 $0x1BF5;
	p2 =	por !p2, p0  }
0x20: {  	[sflag:s8] =	ssyncset.s32 @!p0 $0xFFFFF086;
	s6 =	sadd.s32 @!p0 s3, s7;
	s7 =	simm.s32 @!p0 $0x108  }
0x21: {  	s3 =	sadd.s32 s3, s9;
	s6 =	sadd.s32 @!p0 $0x88, s6;
	s7 =	simm.s32 @p2 $0x1082  }
0x22: {  	[simem:s7], [sflag:s8] =	dma.local @!p0 [hbm:s6], $0xF7A  }
0x23: {  	s9 =	sor.u32 $0xD0000000, s2;
	s6 =	simm.s32 $0x108;
	_ =	swait.ge @!p0 [sflag:s8], $0x0  }
0x24: {  	s3 =	sadd.s32 $0x88, s3;
	s6 =	simm.s32 @!p1 $0x1082;
	[sflag:s4] =	ssyncset.s32 $0xFFFFF086  }
0x25: {  	[simem:s6], [sflag:s4] =	dma.local [hbm:s3], $0xF7A  }
0x26: {  	[smem:$0x3F95] =	sst s1;
	(tag) =	ssettag s2;
	_ =	strace s9  }
0x27: {  	s1 =	sld [smem:$0x3FA5]  }
0x28: {  	s2 =	sld [smem:$0x3FA6]  }
0x29: {  	s4 =	sld [smem:$0x3FA8]  }
0x2a: {  	p0 =	seq.s32 s5, $0x0;
	s5 =	sld [smem:$0x3FA9]  }
0x2b: {  	s6 =	sld [smem:$0x3FAA]  }
0x2c: {  	s7 =	sld [smem:$0x3FAB]  }
0x2d: {  	s3 =	simm.s32 $0x108;
	s8 =	sld [smem:$0x3FAC]  }
0x2e: {  	s3 =	simm.s32 @!p0 $0x1082;
	s9 =	sld [smem:$0x3FAD]  }
0x2f: {  	lr =	sadd.s32 s0, s3;
	s0 =	sld [smem:$0x3FA4]  }
0x30: {  	s3 =	sld [smem:$0x3FA7]  }
0x31: {  	[smem:$0x3FB0] =	sst s10  }
0x32: {  	s10 =	sld [smem:$0x3FAE];
	_ =	sdelay $0x3  }
0x33: {  	p0 =	seq.s32 s10, $0x1;
	s10 =	sld [smem:$0x3FB0];
	_ =	sdelay $0x3  }
0x34: {  	[smem:$0x3FB0] =	sst s10  }
0x35: {  	s10 =	sld [smem:$0x3FAF];
	_ =	sdelay $0x3  }
0x36: {  	p1 =	seq.s32 s10, $0x1;
	s10 =	sld [smem:$0x3FB0];
	_ =	sdelay $0x3  }
0x37: {  	[smem:$0x3FB0] =	sst s10  }
0x38: {  	s10 =	sld [smem:$0x3FB1]  }
0x39: {  	_ = 	snop;
	(pc) =	sbr.ind lr, $3  }
0x3a: {  	_ = 	snop  }
0x3b: {  	_ = 	snop  }
0x3c: {  	p2 =	seq.s32 s10, $0x1;
	s10 =	sld [smem:$0x3FB0]  }
0x3d: {  	_ =	shalt  }
0x3e: {  	_ =	shalt  }
0x3f: {  	_ =	shalt  }
0x40: {  	_ =	shalt  }
0x41: {  	_ =	shalt  }
0x42: {  	_ =	shalt  }
0x43: {  	_ =	shalt  }
0x44: {  	_ =	shalt  }
0x45: {  	_ =	shalt  }
0x46: {  	_ =	shalt  }
0x47: {  	_ =	shalt  }
0x48: {  	_ =	shalt  }
0x49: {  	_ =	shalt  }
0x4a: {  	_ =	shalt  }
0x4b: {  	_ =	shalt  }
0x4c: {  	_ =	shalt  }
0x4d: {  	_ =	shalt  }
0x4e: {  	_ =	shalt  }
0x4f: {  	_ =	shalt  }
0x50: {  	_ =	shalt  }
0x51: {  	_ =	shalt  }
0x52: {  	_ =	shalt  }
0x53: {  	_ =	shalt  }
0x54: {  	_ =	shalt  }
0x55: {  	_ =	shalt  }
0x56: {  	_ =	shalt  }
0x57: {  	_ =	shalt  }
0x58: {  	_ =	shalt  }
0x59: {  	_ =	shalt  }
0x5a: {  	_ =	shalt  }
0x5b: {  	_ =	shalt  }
0x5c: {  	_ =	shalt  }
0x5d: {  	_ =	shalt  }
0x5e: {  	_ =	shalt  }
0x5f: {  	_ =	shalt  }
0x60: {  	_ =	shalt  }
0x61: {  	_ =	shalt  }
0x62: {  	_ =	shalt  }
0x63: {  	_ =	shalt  }
0x64: {  	_ =	shalt  }
0x65: {  	_ =	shalt  }
0x66: {  	_ =	shalt  }
0x67: {  	_ =	shalt  }
0x68: {  	_ =	shalt  }
0x69: {  	_ =	shalt  }
0x6a: {  	_ =	shalt  }
0x6b: {  	_ =	shalt  }
0x6c: {  	_ =	shalt  }
0x6d: {  	_ =	shalt  }
0x6e: {  	_ =	shalt  }
0x6f: {  	_ =	shalt  }
0x70: {  	_ =	shalt  }
0x71: {  	_ =	shalt  }
0x72: {  	_ =	shalt  }
0x73: {  	_ =	shalt  }
0x74: {  	_ =	shalt  }
0x75: {  	_ =	shalt  }
0x76: {  	_ =	shalt  }
0x77: {  	_ =	shalt  }
0x78: {  	_ =	shalt  }
0x79: {  	_ =	shalt  }
0x7a: {  	_ =	shalt  }
0x7b: {  	_ =	shalt  }
0x7c: {  	_ =	shalt  }
0x7d: {  	_ =	shalt  }
0x7e: {  	_ =	shalt  }
0x7f: {  	_ =	shalt  }
0x80: {  	_ =	shalt  }
0x81: {  	_ =	shalt  }
0x82: {  	_ =	shalt  }
0x83: {  	_ =	shalt  }
0x84: {  	_ =	shalt  }
0x85: {  	_ =	shalt  }
0x86: {  	_ =	shalt  }
0x87: {  	_ =	shalt  }
.Lfunc_end0:
.L_simem_size_0:
called_computation_lowered:
.L_overlay_start_0:
0x88: {  	s2 =	sld [smem:$0x3FD9]  }
0x89: {  	s3 =	sld [smem:$0x3FFE];
	_ =	sdelay $0x1  }
0x8a: {  	s1 =	srdreg.scid  }
0x8b: {  	s0 =	sand.u32 $0x1, s1  }
0x8c: {  	s17 =	sshll.u32 s0, $0xA;
	s2 =	sadd.s32 s3, s2  }
0x8d: {  	s2 =	sadd.s32 s2, s17  }
0x8e: {  	[smem:$0x3FBC] =	sst s2  }
0x8f: {  	_ = 	snop  }
0x90: {  	s2 =	sld [smem:$0x3FD0];
	(tm) =	ssettm $0x1  }
0x91: {  	s18 =	sld [smem:$0x3FFB];
	_ =	sdelay $0x3  }
0x92: {  	_ =	strace s18  }
0x93: {  	s3 =	sld [smem:$0x3FFC];
	_ =	sdelay $0x3  }
0x94: {  	_ =	strace s3  }
0x95: {  	s3 =	sld [smem:$0x3FFD];
	_ =	sdelay $0x3  }
0x96: {  	_ =	strace s3  }
0x97: {  	_ =	strace $0x8FFFFFFF  }
0x98: {  	s19 =	sld [smem:$0x3FDB];
	_ =	sdelay $0x1  }
0x99: {  	s4 =	simm.s32 $_scs_section_size  }
0x9a: {  	s5 =	simm.s32 $_size__tile_overlayer_lowered;
	s6 =	simm.s32 $_tile_overlayer_lowered  }
0x9b: {  	s22 =	simm.s32 $0x1BFF;
	s21 =	sshll.u32 s6, $0x1;
	s3 =	sadd.s32 s4, s19  }
0x9c: {  	s7 =	simm.s32 $0x0;
	s20 =	sshll.u32 s5, $0x1;
	s5 =	sadd.s32 s21, s3  }
0x9d: {  	[timem:s7], [sflag:s22] =	dma.local [hbm:s5], s20  }
0x9e: {  	_ =	swait.ge [sflag:s22], s20  }
0x9f: {  	s4 =	ssub.s32 $0x0, s20;
	[sflag:s22] =	ssyncset.done $0x0  }
0xa0: {  	[sflag:s22] =	ssyncadd.s32 s4;
	_ =	sdelay $0x1  }
0xa1: {  	s23 =	simm.s32 $0x1B8B  }
0xa2: {  	_ =	swait.ge [sflag:s23], $0x1  }
0xa3: {  	[sflag:s23] =	ssyncset.done $0x0  }
0xa4: {  	s25 =	simm.s32 $0x1B8E;
	s24 =	sld [smem:$0x3FFE];
	[sflag:s23] =	ssyncadd.s32 $0xFFFFFFFF  }
0xa5: {  	s26 =	simm.s32 $execute0_lowered;
	[smem:$0x3FD2] =	sst s25  }
0xa6: {  	s5 =	sshll.u32 s26, $0x1;
	_ =	strace $0x80000046;
	[dreg:$0x1] =	wrdreg $0xFFFFFFFF  }
0xa7: {  	s28 =	simm.s32 $_size_execute0_lowered;
	s3 =	sadd.s32 s3, s5;
	[dreg:$0x0] =	wrdreg $0x0  }
0xa8: {  	s5 =	sshll.u32 s28, $0x1;
	[dreg:$0x2] =	wrdreg s3  }
0xa9: {  	[dreg:$0x3] =	wrdreg s5  }
0xaa: {  	[dreg:$0x4] =	wrdreg $0xC0  }
0xab: {  	_ =	task [dreg:s7], $0x5FFFF  }
0xac: {  	[dreg:$0x1] =	wrdreg $0xFFFFFFFF  }
0xad: {  	[dreg:$0x0] =	wrdreg $0x60  }
0xae: {  	[dreg:$0x2] =	wrdreg s24  }
0xaf: {  	[dreg:$0x3] =	wrdreg s2  }
0xb0: {  	[dreg:$0x4] =	wrdreg $0x2F800  }
0xb1: {  	[dreg:$0x5] =	wrdreg $0x9  }
0xb2: {  	_ =	task.clear_ibuf [dreg:s7], $0x6FFFF;
	_ =	strace $0x90000046  }
0xb3: {  	s29 =	simm.s32 $0x9;
	_ =	strace $0x80000048  }
0xb4: {  	_ =	swait.ge [sflag:s29], $0x1  }
0xb5: {  	[sflag:s29] =	ssyncadd.s32 $0xFFFFFFFF  }
0xb6: {  	_ =	strace $0x90000048  }
0xb7: {  	_ =	sfence  }
0xb8: {  	s30 =	sld [smem:$0x0];
	_ =	sdelay $0x2  }
0xb9: {  	s31 =	sshll.u32 s1, $0xD;
	s1 =	sshrl.u32 s1, $0x2  }
0xba: {  	s3 =	sand.u32 $0x4000, s31;
	s1 =	sadd.s32 s1, s30  }
0xbb: {  	s0 =	sor.u32 s3, s0;
	s1 =	sshll.u32 s1, $0x11  }
0xbc: {  	s0 =	sor.u32 s1, s0  }
0xbd: {  	s0 =	sadd.s32 $0x8F2B, s0  }
0xbe: {  	[sflag:s0] =	ssyncadd.remote.s32 $0x1  }
0xbf: {  	_ =	sfence.sel $0xFFFF  }
0xc0: {  	[dreg:$0x0] =	wrdreg $0xFFFFFFFF;
	(pc) =	sbr.abs _section_cstart, $3  }
0xc1: {  	[dreg:$0x1] =	wrdreg $0xFFFFFFFF  }
0xc2: {  	_ =	task.clear_ibuf [dreg:s7], $0x2FFFF;
	_ =	strace $0x9FFFFFFF  }
0xc3: {  	(tm) =	ssettm $0x7FFFFFFF  }
tec
execute0_lowered:
.L_overlay_start_1:
0x0: {  	(tag) =	ssettag $0x1  }
0x1: {  	s6 =	rddreg [dreg:$0x0]  }
0x2: {  	s2 =	rddreg [dreg:$0x1]  }
0x3: {  	s3 =	rddreg [dreg:$0x2]  }
0x4: {  	s0 =	rddreg [dreg:$0x3]  }
0x5: {  	s4 =	srdreg.scid;
	s1 =	stileid.u32;
	s12 =	simm.s32 $0x2780  }
0x6: {  	s13 =	simm.s32 $0x80;
	s14 =	simm.s32 $0x0;
	s5 =	sand.u32 $0x1, s4  }
0x7: {  	s7 =	sshll.u32 s1, $0x1;
	s8 =	smul.u32 $0x2780, s1;
	s4 =	simm.s32 $0x0  }
0x8: {  	s31 =	sshll.u32 s1, $0x6;
	s7 =	sor.u32 s5, s7;
	s9 =	smul.u32 $0x27800, s5  }
0x9: {  	[smem:$0x7FF] =	sst s4;
	s10 =	ssub.s32 $0x2, s5;
	s5 =	sadd.s32 $0xD000, s6  }
0xa: {  	s7 =	smul.u32 $0x4F0, s7;
	_ =	strace $0x80000047;
	s9 =	sadd.s32 s8, s9  }
0xb: {  	s30 =	sshrl.u32 s10, $0x1;
	s11 =	sadd.s32 s8, s3;
	s9 =	sshrl.u32 s9, $0x3  }
0xc: {  	s10 =	ssub.s32 s10, s30;
	s7 =	sadd.s32 s7, s6;
	s9 =	sadd.s32 s9, s6  }
0xd: {  	s6 =	sor.u32 $0x1C01, s31;
	s7 =	sadd.s32 $0x3200, s7;
	s8 =	sadd.s32 $0xD600, s9  }
0xe: {  	s9 =	smax.u32 s10, $0x1;
	s10 =	sshrl.u32 s11, $0x3;
	s11 =	simm.s32 $0x1  }
.LBB2_1:
0xf: {  	[spmem:s10], [sflag:s6] =	dma.local [hbm:s5], $0x4F0  }
0x10: {  	_ =	swait.ge [sflag:s11], $0x4F0  }
0x11: {  	[sflag:s11] =	ssyncset.done $0x0  }
0x12: {  	[sflag:s11] =	ssyncadd.s32 $0xFFFFFB10  }
0x13: {  	[tilespmem:s4], [sflag:$0x1] =	stream.linear.gather [hbm4b:s7+s4], $0x2780, $0x38;
	[tilespmem:$0x5700] =	vst v63  }
0x14: {  	_ =	swait.ge [sflag:s11], $0x2780  }
0x15: {  	[sflag:s11] =	ssyncset.done $0x0  }
0x16: {  	[sflag:s11] =	ssyncadd.s32 $0xFFFFD880  }
0x17: {  	[tilespmem:s12], [sflag:$0x1] =	stream.linear.gather [hbm4b:s2+s4], $0x800, $0x38;
	[tilespmem:$0x5700] =	vst v63  }
0x18: {  	_ =	swait.ge [sflag:s11], $0x800  }
0x19: {  	[sflag:s11] =	ssyncset.done $0x0  }
0x1a: {  	[sflag:s11] =	ssyncadd.s32 $0xFFFFF800  }
0x1b: {  	s15 =	simm.s32 $0x0;
	[bflag:$0x0] =	sbarrier.arrive $0xFFFF  }
0x1c: {  	[spmem:s3] =	stream.indirect.scatter.add.f32 [tilespmem:s12], [sflag:$0x1], $0x10, s15, s13, $0xb8;
	[tilespmem:$0x5700] =	vst v63  }
0x1d: {  	_ =	swait.ge [sflag:s11], $0x800  }
0x1e: {  	s15 =	simm.s32 $0x200;
	[sflag:s11] =	ssyncset.done $0x0  }
.LBB2_2:
0x1f: {  	s16 =	sshra.s32 s15, $0x2;
	[sflag:s11] =	ssyncadd.s32 $0xFFFFF800;
	p0 =	sne.s32 s15, $0x9C00  }
0x20: {  	[spmem:s3] =	stream.indirect.scatter.add.f32 [tilespmem:s12], [sflag:$0x1], $0x10, s16, s13, $0xb8;
	[tilespmem:$0x5700] =	vst v63  }
.Ltmp0:
0x21: {  	_ = 	snop;
	(pc) =	sbr.rel @p0 .LBB2_2-.Ltmp0, $4  }
0x22: {  	_ = 	snop  }
0x23: {  	s15 =	sadd.s32 $0x200, s15  }
0x24: {  	_ =	swait.ge [sflag:s11], $0x800  }
0x25: {  	[sflag:s11] =	ssyncset.done $0x0  }
0x26: {  	s14 =	sadd.s32 $0x1, s14  }
0x27: {  	[sflag:s11] =	ssyncadd.s32 $0xFFFFF800;
	p0 =	sne.s32 s14, s9  }
.Ltmp1:
0x28: {  	[bflag:$0x0] =	sbarrier.arrive $0xFFFF;
	(pc) =	sbr.rel @p0 .LBB2_1-.Ltmp1, $4  }
0x29: {  	[hbm:s8], [sflag:s6] =	dma.local [spmem:s10], $0x4F0  }
0x2a: {  	_ =	swait.ge [sflag:s11], $0x4F0  }
0x2b: {  	[sflag:s11] =	ssyncset.done $0x0  }
0x2c: {  	[sflag:s11] =	ssyncadd.s32 $0xFFFFFB10  }
0x2d: {  	_ =	sfence.sel $0x180000  }
0x2e: {  	[bflag:$0x0] =	sbarrier.arrive $0xFFFF  }
0x2f: {  	p0 =	sne.s32 s1, $0x0;
	_ =	strace $0x90000047  }
0x30: {  	s0 =	sadd.s32 @!p0 $0x100000, s0;
	[bflag:$0x2] =	sbarrier.arrive $0xFFFF  }
0x31: {  	[sflag:s0] =	ssyncadd.tile.s32 @!p0 $0x1;
	_ =	shalt  }
.Lfunc_end2:
_tile_overlayer_lowered:
.L_overlay_start_2:
0x32: {  	(tag) =	ssettag $0x2  }
0x33: {  	s0 =	rddreg [dreg:$0x0];
	s2 =	stileid.u32  }
0x34: {  	s1 =	rddreg [dreg:$0x1];
	p0 =	sne.s32 s2, $0x0  }
0x35: {  	s3 =	rddreg [dreg:$0x2];
	[bflag:$0x3] =	sbarrier.arrive $0xFFFF;
	s2 =	simm.s32 @!p0 $0x1C01  }
0x36: {  	[timem:s3], [sflag:s2] =	dma.local @!p0 [hbm:s0], s1  }
0x37: {  	s0 =	simm.s32 @!p0 $0x1  }
0x38: {  	_ =	swait.ge @!p0 [sflag:s0], s1  }
0x39: {  	s1 =	ssub.s32 @!p0 $0x0, s1;
	[sflag:s0] =	ssyncset.done @!p0 $0x0  }
0x3a: {  	[sflag:s0] =	ssyncadd.s32 @!p0 s1  }
0x3b: {  	[bflag:$0x3] =	sbarrier.arrive $0xFFFF  }
0x3c: {  	_ =	shalt  }

// kernel: kernel.14.cloned.1.call-start
scs
__scs_entry_jumppad:
0x0: {  	(pc) =	sbr.rel $0x88, $3  }
0x1: {  	(tag) =	ssettag $0x0;
	lr =	simm.s32 $0x1  }
0x2: {  	[smem:$0x3F95] =	sst lr;
	_ =	strace $0xD0000000  }
0x3: {  	_ = 	snop  }
0x4: {  	_ = 	snop  }
0x5: {  	_ = 	snop  }
0x6: {  	_ = 	snop  }
0x7: {  	_ = 	snop  }
__scs_overlays_trampoline_lowered:
0x8: {  	[smem:$0x3FA4] =	sst s0  }
0x9: {  	[smem:$0x3FA5] =	sst s1  }
0xa: {  	[smem:$0x3FA6] =	sst s2  }
0xb: {  	[smem:$0x3FA7] =	sst s3  }
0xc: {  	[smem:$0x3FA8] =	sst s4  }
0xd: {  	[smem:$0x3FA9] =	sst s5  }
0xe: {  	[smem:$0x3FAA] =	sst s6  }
0xf: {  	[smem:$0x3FAB] =	sst s7  }
0x10: {  	[smem:$0x3FAC] =	sst s8  }
0x11: {  	[smem:$0x3FAD] =	sst s9;
	s0 =	simm.s32 @!p0 $0x0  }
0x12: {  	s1 =	sld [smem:$0x3F93];
	s0 =	simm.s32 @p0 $0x1  }
0x13: {  	[smem:$0x3FAE] =	sst s0;
	s0 =	simm.s32 @!p1 $0x0  }
0x14: {  	s2 =	sld [smem:$0x3F92];
	s0 =	simm.s32 @p1 $0x1  }
0x15: {  	[smem:$0x3FAF] =	sst s0;
	s0 =	simm.s32 @!p2 $0x0  }
0x16: {  	s3 =	sld [smem:$0x3FDB];
	s0 =	simm.s32 @p2 $0x1  }
0x17: {  	s4 =	simm.s32 $0x1BF5;
	[smem:$0x3FB1] =	sst s0  }
0x18: {  	s0 =	sld [smem:$0x3F94];
	_ =	swait.ge [sflag:s4], $0x0  }
0x19: {  	s7 =	sld [smem:$0x3F95]  }
0x1a: {  	s8 =	sadd.s32 $0xFFFFE003, lr  }
0x1b: {  	s9 =	sadd.s32 $0xFFFFFEF7, lr;
	s5 =	simm.s32 $0xFFFFFFFF;
	p2 =	slt.u32 s8, $0xFFFFF086  }
0x1c: {  	p1 =	slt.u32 s9, $0xF7A;
	s5 =	simm.s32 @!p2 $0x0  }
0x1d: {  	s5 =	simm.s32 @p1 $0x1;
	p0 =	seq.s32 s7, s2  }
0x1e: {  	s7 =	smul.u32 @!p0 $0xF7A, s2;
	p2 =	seq.s32 @!p0 s5, $0x0  }
0x1f: {  	s9 =	smul.u32 $0xF7A, s1;
	s8 =	simm.s32 @!p0 $0x1BF5;
	p2 =	por !p2, p0  }
0x20: {  	[sflag:s8] =	ssyncset.s32 @!p0 $0xFFFFF086;
	s6 =	sadd.s32 @!p0 s3, s7;
	s7 =	simm.s32 @!p0 $0x108  }
0x21: {  	s3 =	sadd.s32 s3, s9;
	s6 =	sadd.s32 @!p0 $0x88, s6;
	s7 =	simm.s32 @p2 $0x1082  }
0x22: {  	[simem:s7], [sflag:s8] =	dma.local @!p0 [hbm:s6], $0xF7A  }
0x23: {  	s9 =	sor.u32 $0xD0000000, s2;
	s6 =	simm.s32 $0x108;
	_ =	swait.ge @!p0 [sflag:s8], $0x0  }
0x24: {  	s3 =	sadd.s32 $0x88, s3;
	s6 =	simm.s32 @!p1 $0x1082;
	[sflag:s4] =	ssyncset.s32 $0xFFFFF086  }
0x25: {  	[simem:s6], [sflag:s4] =	dma.local [hbm:s3], $0xF7A  }
0x26: {  	[smem:$0x3F95] =	sst s1;
	(tag) =	ssettag s2;
	_ =	strace s9  }
0x27: {  	s1 =	sld [smem:$0x3FA5]  }
0x28: {  	s2 =	sld [smem:$0x3FA6]  }
0x29: {  	s4 =	sld [smem:$0x3FA8]  }
0x2a: {  	p0 =	seq.s32 s5, $0x0;
	s5 =	sld [smem:$0x3FA9]  }
0x2b: {  	s6 =	sld [smem:$0x3FAA]  }
0x2c: {  	s7 =	sld [smem:$0x3FAB]  }
0x2d: {  	s3 =	simm.s32 $0x108;
	s8 =	sld [smem:$0x3FAC]  }
0x2e: {  	s3 =	simm.s32 @!p0 $0x1082;
	s9 =	sld [smem:$0x3FAD]  }
0x2f: {  	lr =	sadd.s32 s0, s3;
	s0 =	sld [smem:$0x3FA4]  }
0x30: {  	s3 =	sld [smem:$0x3FA7]  }
0x31: {  	[smem:$0x3FB0] =	sst s10  }
0x32: {  	s10 =	sld [smem:$0x3FAE];
	_ =	sdelay $0x3  }
0x33: {  	p0 =	seq.s32 s10, $0x1;
	s10 =	sld [smem:$0x3FB0];
	_ =	sdelay $0x3  }
0x34: {  	[smem:$0x3FB0] =	sst s10  }
0x35: {  	s10 =	sld [smem:$0x3FAF];
	_ =	sdelay $0x3  }
0x36: {  	p1 =	seq.s32 s10, $0x1;
	s10 =	sld [smem:$0x3FB0];
	_ =	sdelay $0x3  }
0x37: {  	[smem:$0x3FB0] =	sst s10  }
0x38: {  	s10 =	sld [smem:$0x3FB1]  }
0x39: {  	_ = 	snop;
	(pc) =	sbr.ind lr, $3  }
0x3a: {  	_ = 	snop  }
0x3b: {  	_ = 	snop  }
0x3c: {  	p2 =	seq.s32 s10, $0x1;
	s10 =	sld [smem:$0x3FB0]  }
0x3d: {  	_ =	shalt  }
0x3e: {  	_ =	shalt  }
0x3f: {  	_ =	shalt  }
0x40: {  	_ =	shalt  }
0x41: {  	_ =	shalt  }
0x42: {  	_ =	shalt  }
0x43: {  	_ =	shalt  }
0x44: {  	_ =	shalt  }
0x45: {  	_ =	shalt  }
0x46: {  	_ =	shalt  }
0x47: {  	_ =	shalt  }
0x48: {  	_ =	shalt  }
0x49: {  	_ =	shalt  }
0x4a: {  	_ =	shalt  }
0x4b: {  	_ =	shalt  }
0x4c: {  	_ =	shalt  }
0x4d: {  	_ =	shalt  }
0x4e: {  	_ =	shalt  }
0x4f: {  	_ =	shalt  }
0x50: {  	_ =	shalt  }
0x51: {  	_ =	shalt  }
0x52: {  	_ =	shalt  }
0x53: {  	_ =	shalt  }
0x54: {  	_ =	shalt  }
0x55: {  	_ =	shalt  }
0x56: {  	_ =	shalt  }
0x57: {  	_ =	shalt  }
0x58: {  	_ =	shalt  }
0x59: {  	_ =	shalt  }
0x5a: {  	_ =	shalt  }
0x5b: {  	_ =	shalt  }
0x5c: {  	_ =	shalt  }
0x5d: {  	_ =	shalt  }
0x5e: {  	_ =	shalt  }
0x5f: {  	_ =	shalt  }
0x60: {  	_ =	shalt  }
0x61: {  	_ =	shalt  }
0x62: {  	_ =	shalt  }
0x63: {  	_ =	shalt  }
0x64: {  	_ =	shalt  }
0x65: {  	_ =	shalt  }
0x66: {  	_ =	shalt  }
0x67: {  	_ =	shalt  }
0x68: {  	_ =	shalt  }
0x69: {  	_ =	shalt  }
0x6a: {  	_ =	shalt  }
0x6b: {  	_ =	shalt  }
0x6c: {  	_ =	shalt  }
0x6d: {  	_ =	shalt  }
0x6e: {  	_ =	shalt  }
0x6f: {  	_ =	shalt  }
0x70: {  	_ =	shalt  }
0x71: {  	_ =	shalt  }
0x72: {  	_ =	shalt  }
0x73: {  	_ =	shalt  }
0x74: {  	_ =	shalt  }
0x75: {  	_ =	shalt  }
0x76: {  	_ =	shalt  }
0x77: {  	_ =	shalt  }
0x78: {  	_ =	shalt  }
0x79: {  	_ =	shalt  }
0x7a: {  	_ =	shalt  }
0x7b: {  	_ =	shalt  }
0x7c: {  	_ =	shalt  }
0x7d: {  	_ =	shalt  }
0x7e: {  	_ =	shalt  }
0x7f: {  	_ =	shalt  }
0x80: {  	_ =	shalt  }
0x81: {  	_ =	shalt  }
0x82: {  	_ =	shalt  }
0x83: {  	_ =	shalt  }
0x84: {  	_ =	shalt  }
0x85: {  	_ =	shalt  }
0x86: {  	_ =	shalt  }
0x87: {  	_ =	shalt  }
.Lfunc_end0:
.L_simem_size_0:
called_computation.1_lowered:
.L_overlay_start_0:
0x88: {  	s2 =	sld [smem:$0x3FD9]  }
0x89: {  	s3 =	sld [smem:$0x3FFE];
	_ =	sdelay $0x1  }
0x8a: {  	s1 =	srdreg.scid  }
0x8b: {  	s0 =	sand.u32 $0x1, s1  }
0x8c: {  	s17 =	sshll.u32 s0, $0xA;
	s2 =	sadd.s32 s3, s2  }
0x8d: {  	s2 =	sadd.s32 s2, s17  }
0x8e: {  	[smem:$0x3FBC] =	sst s2  }
0x8f: {  	_ = 	snop  }
0x90: {  	s18 =	sld [smem:$0x3FD0];
	(tm) =	ssettm $0x1  }
0x91: {  	s19 =	sld [smem:$0x3FFB];
	_ =	sdelay $0x3  }
0x92: {  	_ =	strace s19  }
0x93: {  	s2 =	sld [smem:$0x3FFC];
	_ =	sdelay $0x3  }
0x94: {  	_ =	strace s2  }
0x95: {  	s2 =	sld [smem:$0x3FFD];
	_ =	sdelay $0x3  }
0x96: {  	_ =	strace s2  }
0x97: {  	_ =	strace $0x8FFFFFFF  }
0x98: {  	s20 =	sld [smem:$0x3FDB];
	_ =	sdelay $0x1  }
0x99: {  	s4 =	simm.s32 $_scs_section_size  }
0x9a: {  	s5 =	simm.s32 $_size__tile_overlayer_lowered;
	s6 =	simm.s32 $_tile_overlayer_lowered  }
0x9b: {  	s7 =	simm.s32 $0x1BFF;
	s21 =	sshll.u32 s6, $0x1;
	s4 =	sadd.s32 s4, s20  }
0x9c: {  	s22 =	simm.s32 $0x0;
	s5 =	sshll.u32 s5, $0x1;
	s6 =	sadd.s32 s21, s4  }
0x9d: {  	[timem:s22], [sflag:s7] =	dma.local [hbm:s6], s5  }
0x9e: {  	_ =	swait.ge [sflag:s7], s5  }
0x9f: {  	s5 =	ssub.s32 $0x0, s5;
	[sflag:s7] =	ssyncset.done $0x0  }
0xa0: {  	[sflag:s7] =	ssyncadd.s32 s5;
	_ =	sdelay $0x1  }
0xa1: {  	s23 =	simm.s32 $0x1B8B  }
0xa2: {  	_ =	swait.ge [sflag:s23], $0x1  }
0xa3: {  	[sflag:s23] =	ssyncset.done $0x0  }
0xa4: {  	[sflag:s23] =	ssyncadd.s32 $0xFFFFFFFF  }
0xa5: {  	s5 =	sld [smem:$0x0]  }
0xa6: {  	s6 =	sand.u32 $0xFFFFFFFE, s1  }
0xa7: {  	p0 =	sne.s32 s1, s6  }
0xa8: {  	s6 =	sshll.u32 @p0 s6, $0xE  }
0xa9: {  	s6 =	sadd.s32 @p0 $0x11B8D, s6;
	s7 =	sshll.u32 @p0 s5, $0x11  }
0xaa: {  	s6 =	sor.u32 @p0 s7, s6  }
0xab: {  	[sflag:s6] =	ssyncadd.remote.s32 @p0 $0x1;
	_ =	sdelay $0x1  }
0xac: {  	s6 =	simm.s32 @p0 $0x1B8D  }
0xad: {  	_ =	swait.eq @p0 [sflag:s6], $0x1  }
0xae: {  	[sflag:s6] =	ssyncadd.s32 @p0 $0xFFFFFFFF  }
0xaf: {  	s7 =	sshll.u32 @!p0 s1, $0xE  }
0xb0: {  	s7 =	sor.u32 @!p0 $0x4000, s7;
	s6 =	simm.s32 @!p0 $0x1B8D  }
0xb1: {  	s5 =	sshll.u32 @!p0 s5, $0x11;
	s7 =	sadd.s32 @!p0 $0x11B8D, s7;
	_ =	swait.eq @!p0 [sflag:s6], $0x1  }
0xb2: {  	s5 =	sor.u32 @!p0 s5, s7;
	[sflag:s6] =	ssyncadd.s32 @!p0 $0xFFFFFFFF  }
0xb3: {  	s25 =	simm.s32 $0x1B8E;
	s24 =	sld [smem:$0x3FFE];
	[sflag:s5] =	ssyncadd.remote.s32 @!p0 $0x1  }
0xb4: {  	s26 =	simm.s32 $execute0_lowered;
	[smem:$0x3FD2] =	sst s25  }
0xb5: {  	s6 =	sshll.u32 s26, $0x1;
	_ =	strace $0x8000004C;
	[dreg:$0x1] =	wrdreg $0xFFFFFFFF  }
0xb6: {  	s28 =	simm.s32 $_size_execute0_lowered;
	s4 =	sadd.s32 s4, s6;
	[dreg:$0x0] =	wrdreg $0x0  }
0xb7: {  	s6 =	sshll.u32 s28, $0x1;
	[dreg:$0x2] =	wrdreg s4  }
0xb8: {  	[dreg:$0x3] =	wrdreg s6  }
0xb9: {  	[dreg:$0x4] =	wrdreg $0xC0  }
0xba: {  	_ =	task [dreg:s22], $0x5FFFF  }
0xbb: {  	[dreg:$0x1] =	wrdreg $0xFFFFFFFF  }
0xbc: {  	[dreg:$0x0] =	wrdreg $0x60  }
0xbd: {  	[dreg:$0x2] =	wrdreg s24  }
0xbe: {  	[dreg:$0x3] =	wrdreg s18  }
0xbf: {  	[dreg:$0x4] =	wrdreg $0x10B400  }
0xc0: {  	[dreg:$0x5] =	wrdreg $0x6F000  }
0xc1: {  	[dreg:$0x6] =	wrdreg $0x9  }
0xc2: {  	_ =	task.clear_ibuf [dreg:s22], $0x7FFFF;
	_ =	strace $0x9000004C  }
0xc3: {  	s29 =	simm.s32 $0x9;
	_ =	strace $0x8000004E  }
0xc4: {  	_ =	swait.ge [sflag:s29], $0x1  }
0xc5: {  	[sflag:s29] =	ssyncadd.s32 $0xFFFFFFFF  }
0xc6: {  	_ =	strace $0x9000004E  }
0xc7: {  	_ =	sfence  }
0xc8: {  	s30 =	sld [smem:$0x0];
	_ =	sdelay $0x2  }
0xc9: {  	s31 =	sshll.u32 s1, $0xD;
	s1 =	sshrl.u32 s1, $0x2  }
0xca: {  	s4 =	sand.u32 $0x4000, s31;
	s1 =	sadd.s32 s1, s30  }
0xcb: {  	s0 =	sor.u32 s4, s0;
	s1 =	sshll.u32 s1, $0x11  }
0xcc: {  	s0 =	sor.u32 s1, s0  }
0xcd: {  	s0 =	sadd.s32 $0x8F2B, s0  }
0xce: {  	[sflag:s0] =	ssyncadd.remote.s32 $0x1  }
0xcf: {  	_ =	sfence.sel $0xFFFF  }
0xd0: {  	[dreg:$0x0] =	wrdreg $0xFFFFFFFF;
	(pc) =	sbr.abs _section_cstart, $3  }
0xd1: {  	[dreg:$0x1] =	wrdreg $0xFFFFFFFF  }
0xd2: {  	_ =	task.clear_ibuf [dreg:s22], $0x2FFFF;
	_ =	strace $0x9FFFFFFF  }
0xd3: {  	(tm) =	ssettm $0x7FFFFFFF  }
tec
execute0_lowered:
.L_overlay_start_1:
0x0: {  	(tag) =	ssettag $0x1  }
0x1: {  	s6 =	rddreg [dreg:$0x0]  }
0x2: {  	s2 =	rddreg [dreg:$0x1]  }
0x3: {  	s3 =	rddreg [dreg:$0x2]  }
0x4: {  	s4 =	rddreg [dreg:$0x3]  }
0x5: {  	s0 =	rddreg [dreg:$0x4]  }
0x6: {  	s1 =	stileid.u32;
	s8 =	srdreg.scid  }
0x7: {  	s5 =	simm.s32 $0x0;
	s16 =	simm.s32 $0x80;
	s17 =	simm.s32 $0x4F00  }
0x8: {  	s18 =	simm.s32 $0x1;
	s19 =	simm.s32 $0x0;
	s7 =	smul.u32 $0x9C40, s1  }
0x9: {  	s8 =	sand.u32 $0x1, s8;
	s9 =	smul.u32 $0x9E00, s1;
	[smem:$0x7FF] =	sst s5  }
0xa: {  	s10 =	sshll.u32 s1, $0x1;
	s31 =	sshll.u32 s1, $0x6;
	s11 =	smul.u32 $0x9E000, s8  }
0xb: {  	_ =	strace $0x8000004D;
	s10 =	sor.u32 s8, s10;
	s8 =	ssub.s32 $0x2, s8  }
0xc: {  	s12 =	sshrl.u32 s7, $0x3;
	s10 =	smul.u32 $0x4F0, s10;
	s30 =	sshrl.u32 s8, $0x1  }
0xd: {  	s14 =	sadd.s32 s9, s3;
	s15 =	sadd.s32 s7, s4;
	s11 =	sadd.s32 s9, s11  }
0xe: {  	s12 =	sadd.s32 s12, s6;
	s13 =	ssub.s32 s8, s30;
	s11 =	sshrl.u32 s11, $0x3  }
0xf: {  	s10 =	sadd.s32 s10, s6;
	s7 =	sadd.s32 $0xAA600, s12;
	s12 =	sshrl.u32 s14, $0x3  }
0x10: {  	s14 =	sshrl.u32 s15, $0x3;
	s15 =	simm.s32 $0x2780;
	s11 =	sadd.s32 s11, s6  }
0x11: {  	s6 =	sor.u32 $0x1C02, s31;
	s8 =	sadd.s32 $0x17400, s10;
	s9 =	sadd.s32 $0x3200, s10  }
0x12: {  	s10 =	sadd.s32 $0xBE000, s11;
	s11 =	smax.u32 s13, $0x1;
	s13 =	simm.s32 $0x2  }
.LBB2_1:
0x13: {  	[spmem:s12], [sflag:s6] =	dma.local [hbm:s2], $0x13C0  }
0x14: {  	_ =	swait.ge [sflag:s13], $0x13C0  }
0x15: {  	[sflag:s13] =	ssyncset.done $0x0  }
0x16: {  	[sflag:s13] =	ssyncadd.s32 $0xFFFFEC40  }
0x17: {  	[spmem:s14], [sflag:s6] =	dma.local [hbm:s7], $0x1388  }
0x18: {  	_ =	swait.ge [sflag:s13], $0x1388  }
0x19: {  	[sflag:s13] =	ssyncset.done $0x0  }
0x1a: {  	[sflag:s13] =	ssyncadd.s32 $0xFFFFEC78  }
0x1b: {  	[tilespmem:s5], [sflag:$0x2] =	stream.linear.gather [hbm4b:s8+s5], $0x2780, $0x38;
	[tilespmem:$0x1A940] =	vst v63  }
0x1c: {  	_ =	swait.ge [sflag:s13], $0x2780  }
0x1d: {  	[sflag:s13] =	ssyncset.done $0x0  }
0x1e: {  	[sflag:s13] =	ssyncadd.s32 $0xFFFFD880  }
0x1f: {  	[tilespmem:s15], [sflag:$0x2] =	stream.linear.gather [hbm4b:s9+s5], $0x2780, $0x38;
	[tilespmem:$0x1A940] =	vst v63  }
0x20: {  	_ =	swait.ge [sflag:s13], $0x2780  }
0x21: {  	[sflag:s13] =	ssyncset.done $0x0  }
0x22: {  	[sflag:s13] =	ssyncadd.s32 $0xFFFFD880  }
0x23: {  	s20 =	simm.s32 $0x0;
	[bflag:$0x0] =	sbarrier.arrive $0xFFFF  }
0x24: {  	[tilespmem:s17], [sflag:$0x1] =	stream.indirect.gather [spmem:s4], $0x40, s20, s16, $0xb8;
	[tilespmem:$0x1A940] =	vst v63  }
0x25: {  	_ =	swait.ge [sflag:s18], $0x2000  }
0x26: {  	[sflag:s18] =	ssyncset.done $0x0  }
0x27: {  	s31 =	simm.s32 $0x2780;
	[sflag:s18] =	ssyncadd.s32 $0xFFFFE000  }
0x28: {  	[spmem:s3] =	stream.indirect.scatter.add.f32 [tilespmem:s17], [sflag:$0x2], $0x40, s31, s16, $0xb8;
	[tilespmem:$0x1A940] =	vst v63  }
0x29: {  	_ =	swait.ge [sflag:s13], $0x2000  }
0x2a: {  	s21 =	simm.s32 $0x400;
	s20 =	simm.s32 $0x200;
	[sflag:s13] =	ssyncset.done $0x0  }
.LBB2_2:
0x2b: {  	s22 =	sshra.s32 s20, $0x2  }
0x2c: {  	[sflag:s13] =	ssyncadd.s32 $0xFFFFE000;
	s20 =	smov.u32 s21;
	s23 =	sadd.s32 $0x200, s21  }
0x2d: {  	[tilespmem:s17], [sflag:$0x1] =	stream.indirect.gather [spmem:s4], $0x40, s22, s16, $0xb8;
	[tilespmem:$0x1A940] =	vst v63  }
0x2e: {  	p0 =	sne.s32 s21, $0x9C00;
	_ =	swait.ge [sflag:s18], $0x2000  }
.Ltmp0:
0x2f: {  	[sflag:s18] =	ssyncset.done $0x0;
	(pc) =	sbr.rel @p0 .LBB2_2-.Ltmp0, $4  }
0x30: {  	s21 =	sadd.s32 $0x2780, s22;
	[sflag:s18] =	ssyncadd.s32 $0xFFFFE000  }
0x31: {  	[spmem:s3] =	stream.indirect.scatter.add.f32 [tilespmem:s17], [sflag:$0x2], $0x40, s21, s16, $0xb8;
	[tilespmem:$0x1A940] =	vst v63  }
0x32: {  	_ =	swait.ge [sflag:s13], $0x2000  }
0x33: {  	s21 =	smov.u32 s23;
	[sflag:s13] =	ssyncset.done $0x0  }
0x34: {  	s20 =	sshra.s32 s20, $0x2;
	[sflag:s13] =	ssyncadd.s32 $0xFFFFE000  }
0x35: {  	[tilespmem:s17], [sflag:$0x1] =	stream.indirect.gather [spmem:s4], $0x40, s20, s16, $0xb8;
	[tilespmem:$0x1A940] =	vst v63  }
0x36: {  	_ =	swait.ge [sflag:s18], $0x2000  }
0x37: {  	[sflag:s18] =	ssyncset.done $0x0  }
0x38: {  	s20 =	sadd.s32 $0x2780, s20;
	[sflag:s18] =	ssyncadd.s32 $0xFFFFE000  }
0x39: {  	[spmem:s3] =	stream.indirect.scatter.add.f32 [tilespmem:s17], [sflag:$0x2], $0x40, s20, s16, $0xb8;
	[tilespmem:$0x1A940] =	vst v63  }
0x3a: {  	_ =	swait.ge [sflag:s13], $0x2000  }
0x3b: {  	s19 =	sadd.s32 $0x1, s19;
	[sflag:s13] =	ssyncset.done $0x0  }
0x3c: {  	p0 =	sne.s32 s19, s11;
	[sflag:s13] =	ssyncadd.s32 $0xFFFFE000  }
.Ltmp1:
0x3d: {  	[bflag:$0x0] =	sbarrier.arrive $0xFFFF;
	(pc) =	sbr.rel @p0 .LBB2_1-.Ltmp1, $4  }
0x3e: {  	[hbm:s10], [sflag:s6] =	dma.local [spmem:s12], $0x13C0  }
0x3f: {  	_ =	swait.ge [sflag:s13], $0x13C0  }
0x40: {  	[sflag:s13] =	ssyncset.done $0x0  }
0x41: {  	[sflag:s13] =	ssyncadd.s32 $0xFFFFEC40  }
0x42: {  	_ =	sfence.sel $0x180000  }
0x43: {  	[bflag:$0x0] =	sbarrier.arrive $0xFFFF  }
0x44: {  	p0 =	sne.s32 s1, $0x0;
	_ =	strace $0x9000004D  }
0x45: {  	s0 =	sadd.s32 @!p0 $0x100000, s0;
	[bflag:$0x2] =	sbarrier.arrive $0xFFFF  }
0x46: {  	[sflag:s0] =	ssyncadd.tile.s32 @!p0 $0x1;
	_ =	shalt  }
.Lfunc_end2:
_tile_overlayer_lowered:
.L_overlay_start_2:
0x47: {  	(tag) =	ssettag $0x2  }
0x48: {  	s0 =	rddreg [dreg:$0x0];
	s2 =	stileid.u32  }
0x49: {  	s1 =	rddreg [dreg:$0x1];
	p0 =	sne.s32 s2, $0x0  }
0x4a: {  	s3 =	rddreg [dreg:$0x2];
	[bflag:$0x3] =	sbarrier.arrive $0xFFFF;
	s2 =	simm.s32 @!p0 $0x1C02  }
0x4b: {  	[timem:s3], [sflag:s2] =	dma.local @!p0 [hbm:s0], s1  }
0x4c: {  	s0 =	simm.s32 @!p0 $0x2  }
0x4d: {  	_ =	swait.ge @!p0 [sflag:s0], s1  }
0x4e: {  	s1 =	ssub.s32 @!p0 $0x0, s1;
	[sflag:s0] =	ssyncset.done @!p0 $0x0  }
0x4f: {  	[sflag:s0] =	ssyncadd.s32 @!p0 s1  }
0x50: {  	[bflag:$0x3] =	sbarrier.arrive $0xFFFF  }
0x51: {  	_ =	shalt  }

// kernel: kernel.17.cloned.1.call-start
scs
__scs_entry_jumppad:
0x0: {  	(pc) =	sbr.rel $0x88, $3  }
0x1: {  	(tag) =	ssettag $0x0;
	lr =	simm.s32 $0x1  }
0x2: {  	[smem:$0x3F95] =	sst lr;
	_ =	strace $0xD0000000  }
0x3: {  	_ = 	snop  }
0x4: {  	_ = 	snop  }
0x5: {  	_ = 	snop  }
0x6: {  	_ = 	snop  }
0x7: {  	_ = 	snop  }
__scs_overlays_trampoline_lowered:
0x8: {  	[smem:$0x3FA4] =	sst s0  }
0x9: {  	[smem:$0x3FA5] =	sst s1  }
0xa: {  	[smem:$0x3FA6] =	sst s2  }
0xb: {  	[smem:$0x3FA7] =	sst s3  }
0xc: {  	[smem:$0x3FA8] =	sst s4  }
0xd: {  	[smem:$0x3FA9] =	sst s5  }
0xe: {  	[smem:$0x3FAA] =	sst s6  }
0xf: {  	[smem:$0x3FAB] =	sst s7  }
0x10: {  	[smem:$0x3FAC] =	sst s8  }
0x11: {  	[smem:$0x3FAD] =	sst s9;
	s0 =	simm.s32 @!p0 $0x0  }
0x12: {  	s1 =	sld [smem:$0x3F93];
	s0 =	simm.s32 @p0 $0x1  }
0x13: {  	[smem:$0x3FAE] =	sst s0;
	s0 =	simm.s32 @!p1 $0x0  }
0x14: {  	s2 =	sld [smem:$0x3F92];
	s0 =	simm.s32 @p1 $0x1  }
0x15: {  	[smem:$0x3FAF] =	sst s0;
	s0 =	simm.s32 @!p2 $0x0  }
0x16: {  	s3 =	sld [smem:$0x3FDB];
	s0 =	simm.s32 @p2 $0x1  }
0x17: {  	s4 =	simm.s32 $0x1BF5;
	[smem:$0x3FB1] =	sst s0  }
0x18: {  	s0 =	sld [smem:$0x3F94];
	_ =	swait.ge [sflag:s4], $0x0  }
0x19: {  	s7 =	sld [smem:$0x3F95]  }
0x1a: {  	s8 =	sadd.s32 $0xFFFFE003, lr  }
0x1b: {  	s9 =	sadd.s32 $0xFFFFFEF7, lr;
	s5 =	simm.s32 $0xFFFFFFFF;
	p2 =	slt.u32 s8, $0xFFFFF086  }
0x1c: {  	p1 =	slt.u32 s9, $0xF7A;
	s5 =	simm.s32 @!p2 $0x0  }
0x1d: {  	s5 =	simm.s32 @p1 $0x1;
	p0 =	seq.s32 s7, s2  }
0x1e: {  	s7 =	smul.u32 @!p0 $0xF7A, s2;
	p2 =	seq.s32 @!p0 s5, $0x0  }
0x1f: {  	s9 =	smul.u32 $0xF7A, s1;
	s8 =	simm.s32 @!p0 $0x1BF5;
	p2 =	por !p2, p0  }
0x20: {  	[sflag:s8] =	ssyncset.s32 @!p0 $0xFFFFF086;
	s6 =	sadd.s32 @!p0 s3, s7;
	s7 =	simm.s32 @!p0 $0x108  }
0x21: {  	s3 =	sadd.s32 s3, s9;
	s6 =	sadd.s32 @!p0 $0x88, s6;
	s7 =	simm.s32 @p2 $0x1082  }
0x22: {  	[simem:s7], [sflag:s8] =	dma.local @!p0 [hbm:s6], $0xF7A  }
0x23: {  	s9 =	sor.u32 $0xD0000000, s2;
	s6 =	simm.s32 $0x108;
	_ =	swait.ge @!p0 [sflag:s8], $0x0  }
0x24: {  	s3 =	sadd.s32 $0x88, s3;
	s6 =	simm.s32 @!p1 $0x1082;
	[sflag:s4] =	ssyncset.s32 $0xFFFFF086  }
0x25: {  	[simem:s6], [sflag:s4] =	dma.local [hbm:s3], $0xF7A  }
0x26: {  	[smem:$0x3F95] =	sst s1;
	(tag) =	ssettag s2;
	_ =	strace s9  }
0x27: {  	s1 =	sld [smem:$0x3FA5]  }
0x28: {  	s2 =	sld [smem:$0x3FA6]  }
0x29: {  	s4 =	sld [smem:$0x3FA8]  }
0x2a: {  	p0 =	seq.s32 s5, $0x0;
	s5 =	sld [smem:$0x3FA9]  }
0x2b: {  	s6 =	sld [smem:$0x3FAA]  }
0x2c: {  	s7 =	sld [smem:$0x3FAB]  }
0x2d: {  	s3 =	simm.s32 $0x108;
	s8 =	sld [smem:$0x3FAC]  }
0x2e: {  	s3 =	simm.s32 @!p0 $0x1082;
	s9 =	sld [smem:$0x3FAD]  }
0x2f: {  	lr =	sadd.s32 s0, s3;
	s0 =	sld [smem:$0x3FA4]  }
0x30: {  	s3 =	sld [smem:$0x3FA7]  }
0x31: {  	[smem:$0x3FB0] =	sst s10  }
0x32: {  	s10 =	sld [smem:$0x3FAE];
	_ =	sdelay $0x3  }
0x33: {  	p0 =	seq.s32 s10, $0x1;
	s10 =	sld [smem:$0x3FB0];
	_ =	sdelay $0x3  }
0x34: {  	[smem:$0x3FB0] =	sst s10  }
0x35: {  	s10 =	sld [smem:$0x3FAF];
	_ =	sdelay $0x3  }
0x36: {  	p1 =	seq.s32 s10, $0x1;
	s10 =	sld [smem:$0x3FB0];
	_ =	sdelay $0x3  }
0x37: {  	[smem:$0x3FB0] =	sst s10  }
0x38: {  	s10 =	sld [smem:$0x3FB1]  }
0x39: {  	_ = 	snop;
	(pc) =	sbr.ind lr, $3  }
0x3a: {  	_ = 	snop  }
0x3b: {  	_ = 	snop  }
0x3c: {  	p2 =	seq.s32 s10, $0x1;
	s10 =	sld [smem:$0x3FB0]  }
0x3d: {  	_ =	shalt  }
0x3e: {  	_ =	shalt  }
0x3f: {  	_ =	shalt  }
0x40: {  	_ =	shalt  }
0x41: {  	_ =	shalt  }
0x42: {  	_ =	shalt  }
0x43: {  	_ =	shalt  }
0x44: {  	_ =	shalt  }
0x45: {  	_ =	shalt  }
0x46: {  	_ =	shalt  }
0x47: {  	_ =	shalt  }
0x48: {  	_ =	shalt  }
0x49: {  	_ =	shalt  }
0x4a: {  	_ =	shalt  }
0x4b: {  	_ =	shalt  }
0x4c: {  	_ =	shalt  }
0x4d: {  	_ =	shalt  }
0x4e: {  	_ =	shalt  }
0x4f: {  	_ =	shalt  }
0x50: {  	_ =	shalt  }
0x51: {  	_ =	shalt  }
0x52: {  	_ =	shalt  }
0x53: {  	_ =	shalt  }
0x54: {  	_ =	shalt  }
0x55: {  	_ =	shalt  }
0x56: {  	_ =	shalt  }
0x57: {  	_ =	shalt  }
0x58: {  	_ =	shalt  }
0x59: {  	_ =	shalt  }
0x5a: {  	_ =	shalt  }
0x5b: {  	_ =	shalt  }
0x5c: {  	_ =	shalt  }
0x5d: {  	_ =	shalt  }
0x5e: {  	_ =	shalt  }
0x5f: {  	_ =	shalt  }
0x60: {  	_ =	shalt  }
0x61: {  	_ =	shalt  }
0x62: {  	_ =	shalt  }
0x63: {  	_ =	shalt  }
0x64: {  	_ =	shalt  }
0x65: {  	_ =	shalt  }
0x66: {  	_ =	shalt  }
0x67: {  	_ =	shalt  }
0x68: {  	_ =	shalt  }
0x69: {  	_ =	shalt  }
0x6a: {  	_ =	shalt  }
0x6b: {  	_ =	shalt  }
0x6c: {  	_ =	shalt  }
0x6d: {  	_ =	shalt  }
0x6e: {  	_ =	shalt  }
0x6f: {  	_ =	shalt  }
0x70: {  	_ =	shalt  }
0x71: {  	_ =	shalt  }
0x72: {  	_ =	shalt  }
0x73: {  	_ =	shalt  }
0x74: {  	_ =	shalt  }
0x75: {  	_ =	shalt  }
0x76: {  	_ =	shalt  }
0x77: {  	_ =	shalt  }
0x78: {  	_ =	shalt  }
0x79: {  	_ =	shalt  }
0x7a: {  	_ =	shalt  }
0x7b: {  	_ =	shalt  }
0x7c: {  	_ =	shalt  }
0x7d: {  	_ =	shalt  }
0x7e: {  	_ =	shalt  }
0x7f: {  	_ =	shalt  }
0x80: {  	_ =	shalt  }
0x81: {  	_ =	shalt  }
0x82: {  	_ =	shalt  }
0x83: {  	_ =	shalt  }
0x84: {  	_ =	shalt  }
0x85: {  	_ =	shalt  }
0x86: {  	_ =	shalt  }
0x87: {  	_ =	shalt  }
.Lfunc_end0:
.L_simem_size_0:
called_computation.2_lowered:
.L_overlay_start_0:
0x88: {  	s2 =	sld [smem:$0x3FD9]  }
0x89: {  	s3 =	sld [smem:$0x3FFE];
	_ =	sdelay $0x1  }
0x8a: {  	s1 =	srdreg.scid  }
0x8b: {  	s0 =	sand.u32 $0x1, s1  }
0x8c: {  	s17 =	sshll.u32 s0, $0xA;
	s2 =	sadd.s32 s3, s2  }
0x8d: {  	s2 =	sadd.s32 s2, s17  }
0x8e: {  	[smem:$0x3FBC] =	sst s2  }
0x8f: {  	_ = 	snop  }
0x90: {  	s2 =	sld [smem:$0x3FD0];
	(tm) =	ssettm $0x1  }
0x91: {  	s18 =	sld [smem:$0x3FFB];
	_ =	sdelay $0x3  }
0x92: {  	_ =	strace s18  }
0x93: {  	s3 =	sld [smem:$0x3FFC];
	_ =	sdelay $0x3  }
0x94: {  	_ =	strace s3  }
0x95: {  	s3 =	sld [smem:$0x3FFD];
	_ =	sdelay $0x3  }
0x96: {  	_ =	strace s3  }
0x97: {  	_ =	strace $0x8FFFFFFF  }
0x98: {  	s19 =	sld [smem:$0x3FDB];
	_ =	sdelay $0x1  }
0x99: {  	s4 =	simm.s32 $_scs_section_size  }
0x9a: {  	s5 =	simm.s32 $_size__tile_overlayer_lowered;
	s6 =	simm.s32 $_tile_overlayer_lowered  }
0x9b: {  	s22 =	simm.s32 $0x1BFF;
	s21 =	sshll.u32 s6, $0x1;
	s3 =	sadd.s32 s4, s19  }
0x9c: {  	s7 =	simm.s32 $0x0;
	s20 =	sshll.u32 s5, $0x1;
	s5 =	sadd.s32 s21, s3  }
0x9d: {  	[timem:s7], [sflag:s22] =	dma.local [hbm:s5], s20  }
0x9e: {  	_ =	swait.ge [sflag:s22], s20  }
0x9f: {  	s4 =	ssub.s32 $0x0, s20;
	[sflag:s22] =	ssyncset.done $0x0  }
0xa0: {  	[sflag:s22] =	ssyncadd.s32 s4;
	_ =	sdelay $0x1  }
0xa1: {  	s23 =	simm.s32 $0x1B8B  }
0xa2: {  	_ =	swait.ge [sflag:s23], $0x1  }
0xa3: {  	[sflag:s23] =	ssyncset.done $0x0  }
0xa4: {  	s25 =	simm.s32 $0x1B8E;
	s24 =	sld [smem:$0x3FFE];
	[sflag:s23] =	ssyncadd.s32 $0xFFFFFFFF  }
0xa5: {  	s26 =	simm.s32 $execute0_lowered;
	[smem:$0x3FD2] =	sst s25  }
0xa6: {  	s5 =	sshll.u32 s26, $0x1;
	_ =	strace $0x80000049;
	[dreg:$0x1] =	wrdreg $0xFFFFFFFF  }
0xa7: {  	s28 =	simm.s32 $_size_execute0_lowered;
	s3 =	sadd.s32 s3, s5;
	[dreg:$0x0] =	wrdreg $0x0  }
0xa8: {  	s5 =	sshll.u32 s28, $0x1;
	[dreg:$0x2] =	wrdreg s3  }
0xa9: {  	[dreg:$0x3] =	wrdreg s5  }
0xaa: {  	[dreg:$0x4] =	wrdreg $0xC0  }
0xab: {  	_ =	task [dreg:s7], $0x5FFFF  }
0xac: {  	[dreg:$0x1] =	wrdreg $0xFFFFFFFF  }
0xad: {  	[dreg:$0x0] =	wrdreg $0x60  }
0xae: {  	[dreg:$0x2] =	wrdreg s24  }
0xaf: {  	[dreg:$0x3] =	wrdreg s2  }
0xb0: {  	[dreg:$0x4] =	wrdreg $0x10B400  }
0xb1: {  	[dreg:$0x5] =	wrdreg $0x6F000  }
0xb2: {  	[dreg:$0x6] =	wrdreg $0xA  }
0xb3: {  	_ =	task.clear_ibuf [dreg:s7], $0x7FFFF;
	_ =	strace $0x90000049  }
0xb4: {  	s29 =	simm.s32 $0xA;
	_ =	strace $0x8000004B  }
0xb5: {  	_ =	swait.ge [sflag:s29], $0x1  }
0xb6: {  	[sflag:s29] =	ssyncadd.s32 $0xFFFFFFFF  }
0xb7: {  	_ =	strace $0x9000004B  }
0xb8: {  	_ =	sfence  }
0xb9: {  	s30 =	sld [smem:$0x0];
	_ =	sdelay $0x2  }
0xba: {  	s31 =	sshll.u32 s1, $0xD;
	s1 =	sshrl.u32 s1, $0x2  }
0xbb: {  	s3 =	sand.u32 $0x4000, s31;
	s1 =	sadd.s32 s1, s30  }
0xbc: {  	s0 =	sor.u32 s3, s0;
	s1 =	sshll.u32 s1, $0x11  }
0xbd: {  	s0 =	sor.u32 s1, s0  }
0xbe: {  	s0 =	sadd.s32 $0x8F2B, s0  }
0xbf: {  	[sflag:s0] =	ssyncadd.remote.s32 $0x1  }
0xc0: {  	_ =	sfence.sel $0xFFFF  }
0xc1: {  	[dreg:$0x0] =	wrdreg $0xFFFFFFFF;
	(pc) =	sbr.abs _section_cstart, $3  }
0xc2: {  	[dreg:$0x1] =	wrdreg $0xFFFFFFFF  }
0xc3: {  	_ =	task.clear_ibuf [dreg:s7], $0x2FFFF;
	_ =	strace $0x9FFFFFFF  }
0xc4: {  	(tm) =	ssettm $0x7FFFFFFF  }
0xc5: {  	_ =	shalt  }
tec
execute0_lowered:
.L_overlay_start_1:
0x0: {  	(tag) =	ssettag $0x1  }
0x1: {  	s6 =	rddreg [dreg:$0x0]  }
0x2: {  	s2 =	rddreg [dreg:$0x1]  }
0x3: {  	s3 =	rddreg [dreg:$0x2]  }
0x4: {  	s4 =	rddreg [dreg:$0x3]  }
0x5: {  	s0 =	rddreg [dreg:$0x4]  }
0x6: {  	s1 =	stileid.u32;
	s8 =	srdreg.scid  }
0x7: {  	s5 =	simm.s32 $0x0;
	s16 =	simm.s32 $0x80;
	s17 =	simm.s32 $0x4F00  }
0x8: {  	s18 =	simm.s32 $0x1;
	s19 =	simm.s32 $0x0;
	s7 =	smul.u32 $0x9C40, s1  }
0x9: {  	s8 =	sand.u32 $0x1, s8;
	s9 =	smul.u32 $0x9E00, s1;
	[smem:$0x7FF] =	sst s5  }
0xa: {  	s10 =	sshll.u32 s1, $0x1;
	s31 =	sshll.u32 s1, $0x6;
	s11 =	smul.u32 $0x9E000, s8  }
0xb: {  	_ =	strace $0x8000004A;
	s10 =	sor.u32 s8, s10;
	s8 =	ssub.s32 $0x2, s8  }
0xc: {  	s12 =	sshrl.u32 s7, $0x3;
	s10 =	smul.u32 $0x4F0, s10;
	s30 =	sshrl.u32 s8, $0x1  }
0xd: {  	s14 =	sadd.s32 s9, s3;
	s15 =	sadd.s32 s7, s4;
	s11 =	sadd.s32 s9, s11  }
0xe: {  	s12 =	sadd.s32 s12, s6;
	s13 =	ssub.s32 s8, s30;
	s11 =	sshrl.u32 s11, $0x3  }
0xf: {  	s10 =	sadd.s32 s10, s6;
	s7 =	sadd.s32 $0x6F400, s12;
	s12 =	sshrl.u32 s14, $0x3  }
0x10: {  	s14 =	sshrl.u32 s15, $0x3;
	s15 =	simm.s32 $0x2780;
	s11 =	sadd.s32 s11, s6  }
0x11: {  	s6 =	sor.u32 $0x1C02, s31;
	s8 =	sadd.s32 $0x17400, s10;
	s9 =	sadd.s32 $0x3200, s10  }
0x12: {  	s10 =	sadd.s32 $0x82E00, s11;
	s11 =	smax.u32 s13, $0x1;
	s13 =	simm.s32 $0x2  }
.LBB2_1:
0x13: {  	[spmem:s12], [sflag:s6] =	dma.local [hbm:s2], $0x13C0  }
0x14: {  	_ =	swait.ge [sflag:s13], $0x13C0  }
0x15: {  	[sflag:s13] =	ssyncset.done $0x0  }
0x16: {  	[sflag:s13] =	ssyncadd.s32 $0xFFFFEC40  }
0x17: {  	[spmem:s14], [sflag:s6] =	dma.local [hbm:s7], $0x1388  }
0x18: {  	_ =	swait.ge [sflag:s13], $0x1388  }
0x19: {  	[sflag:s13] =	ssyncset.done $0x0  }
0x1a: {  	[sflag:s13] =	ssyncadd.s32 $0xFFFFEC78  }
0x1b: {  	[tilespmem:s5], [sflag:$0x2] =	stream.linear.gather [hbm4b:s8+s5], $0x2780, $0x38;
	[tilespmem:$0x1A940] =	vst v63  }
0x1c: {  	_ =	swait.ge [sflag:s13], $0x2780  }
0x1d: {  	[sflag:s13] =	ssyncset.done $0x0  }
0x1e: {  	[sflag:s13] =	ssyncadd.s32 $0xFFFFD880  }
0x1f: {  	[tilespmem:s15], [sflag:$0x2] =	stream.linear.gather [hbm4b:s9+s5], $0x2780, $0x38;
	[tilespmem:$0x1A940] =	vst v63  }
0x20: {  	_ =	swait.ge [sflag:s13], $0x2780  }
0x21: {  	[sflag:s13] =	ssyncset.done $0x0  }
0x22: {  	[sflag:s13] =	ssyncadd.s32 $0xFFFFD880  }
0x23: {  	s20 =	simm.s32 $0x0;
	[bflag:$0x0] =	sbarrier.arrive $0xFFFF  }
0x24: {  	[tilespmem:s17], [sflag:$0x1] =	stream.indirect.gather [spmem:s4], $0x40, s20, s16, $0xb8;
	[tilespmem:$0x1A940] =	vst v63  }
0x25: {  	_ =	swait.ge [sflag:s18], $0x2000  }
0x26: {  	[sflag:s18] =	ssyncset.done $0x0  }
0x27: {  	s31 =	simm.s32 $0x2780;
	[sflag:s18] =	ssyncadd.s32 $0xFFFFE000  }
0x28: {  	[spmem:s3] =	stream.indirect.scatter.add.f32 [tilespmem:s17], [sflag:$0x2], $0x40, s31, s16, $0xb8;
	[tilespmem:$0x1A940] =	vst v63  }
0x29: {  	_ =	swait.ge [sflag:s13], $0x2000  }
0x2a: {  	s21 =	simm.s32 $0x400;
	s20 =	simm.s32 $0x200;
	[sflag:s13] =	ssyncset.done $0x0  }
.LBB2_2:
0x2b: {  	s22 =	sshra.s32 s20, $0x2  }
0x2c: {  	[sflag:s13] =	ssyncadd.s32 $0xFFFFE000;
	s20 =	smov.u32 s21;
	s23 =	sadd.s32 $0x200, s21  }
0x2d: {  	[tilespmem:s17], [sflag:$0x1] =	stream.indirect.gather [spmem:s4], $0x40, s22, s16, $0xb8;
	[tilespmem:$0x1A940] =	vst v63  }
0x2e: {  	p0 =	sne.s32 s21, $0x9C00;
	_ =	swait.ge [sflag:s18], $0x2000  }
.Ltmp0:
0x2f: {  	[sflag:s18] =	ssyncset.done $0x0;
	(pc) =	sbr.rel @p0 .LBB2_2-.Ltmp0, $4  }
0x30: {  	s21 =	sadd.s32 $0x2780, s22;
	[sflag:s18] =	ssyncadd.s32 $0xFFFFE000  }
0x31: {  	[spmem:s3] =	stream.indirect.scatter.add.f32 [tilespmem:s17], [sflag:$0x2], $0x40, s21, s16, $0xb8;
	[tilespmem:$0x1A940] =	vst v63  }
0x32: {  	_ =	swait.ge [sflag:s13], $0x2000  }
0x33: {  	s21 =	smov.u32 s23;
	[sflag:s13] =	ssyncset.done $0x0  }
0x34: {  	s20 =	sshra.s32 s20, $0x2;
	[sflag:s13] =	ssyncadd.s32 $0xFFFFE000  }
0x35: {  	[tilespmem:s17], [sflag:$0x1] =	stream.indirect.gather [spmem:s4], $0x40, s20, s16, $0xb8;
	[tilespmem:$0x1A940] =	vst v63  }
0x36: {  	_ =	swait.ge [sflag:s18], $0x2000  }
0x37: {  	[sflag:s18] =	ssyncset.done $0x0  }
0x38: {  	s20 =	sadd.s32 $0x2780, s20;
	[sflag:s18] =	ssyncadd.s32 $0xFFFFE000  }
0x39: {  	[spmem:s3] =	stream.indirect.scatter.add.f32 [tilespmem:s17], [sflag:$0x2], $0x40, s20, s16, $0xb8;
	[tilespmem:$0x1A940] =	vst v63  }
0x3a: {  	_ =	swait.ge [sflag:s13], $0x2000  }
0x3b: {  	s19 =	sadd.s32 $0x1, s19;
	[sflag:s13] =	ssyncset.done $0x0  }
0x3c: {  	p0 =	sne.s32 s19, s11;
	[sflag:s13] =	ssyncadd.s32 $0xFFFFE000  }
.Ltmp1:
0x3d: {  	[bflag:$0x0] =	sbarrier.arrive $0xFFFF;
	(pc) =	sbr.rel @p0 .LBB2_1-.Ltmp1, $4  }
0x3e: {  	[hbm:s10], [sflag:s6] =	dma.local [spmem:s12], $0x13C0  }
0x3f: {  	_ =	swait.ge [sflag:s13], $0x13C0  }
0x40: {  	[sflag:s13] =	ssyncset.done $0x0  }
0x41: {  	[sflag:s13] =	ssyncadd.s32 $0xFFFFEC40  }
0x42: {  	_ =	sfence.sel $0x180000  }
0x43: {  	[bflag:$0x0] =	sbarrier.arrive $0xFFFF  }
0x44: {  	p0 =	sne.s32 s1, $0x0;
	_ =	strace $0x9000004A  }
0x45: {  	s0 =	sadd.s32 @!p0 $0x100000, s0;
	[bflag:$0x2] =	sbarrier.arrive $0xFFFF  }
0x46: {  	[sflag:s0] =	ssyncadd.tile.s32 @!p0 $0x1;
	_ =	shalt  }
.Lfunc_end2:
_tile_overlayer_lowered:
.L_overlay_start_2:
0x47: {  	(tag) =	ssettag $0x2  }
0x48: {  	s0 =	rddreg [dreg:$0x0];
	s2 =	stileid.u32  }
0x49: {  	s1 =	rddreg [dreg:$0x1];
	p0 =	sne.s32 s2, $0x0  }
0x4a: {  	s3 =	rddreg [dreg:$0x2];
	[bflag:$0x3] =	sbarrier.arrive $0xFFFF;
	s2 =	simm.s32 @!p0 $0x1C02  }
0x4b: {  	[timem:s3], [sflag:s2] =	dma.local @!p0 [hbm:s0], s1  }
0x4c: {  	s0 =	simm.s32 @!p0 $0x2  }
0x4d: {  	_ =	swait.ge @!p0 [sflag:s0], s1  }
0x4e: {  	s1 =	ssub.s32 @!p0 $0x0, s1;
	[sflag:s0] =	ssyncset.done @!p0 $0x0  }
0x4f: {  	[sflag:s0] =	ssyncadd.s32 @!p0 s1  }
0x50: {  	[bflag:$0x3] =	sbarrier.arrive $0xFFFF  }
0x51: {  	_ =	shalt  }

// kernel: kernel.20.cloned.1.call-start
scs
__scs_entry_jumppad:
0x0: {  	(pc) =	sbr.rel $0x88, $3  }
0x1: {  	(tag) =	ssettag $0x0;
	lr =	simm.s32 $0x1  }
0x2: {  	[smem:$0x3F95] =	sst lr;
	_ =	strace $0xD0000000  }
0x3: {  	_ = 	snop  }
0x4: {  	_ = 	snop  }
0x5: {  	_ = 	snop  }
0x6: {  	_ = 	snop  }
0x7: {  	_ = 	snop  }
__scs_overlays_trampoline_lowered:
0x8: {  	[smem:$0x3FA4] =	sst s0  }
0x9: {  	[smem:$0x3FA5] =	sst s1  }
0xa: {  	[smem:$0x3FA6] =	sst s2  }
0xb: {  	[smem:$0x3FA7] =	sst s3  }
0xc: {  	[smem:$0x3FA8] =	sst s4  }
0xd: {  	[smem:$0x3FA9] =	sst s5  }
0xe: {  	[smem:$0x3FAA] =	sst s6  }
0xf: {  	[smem:$0x3FAB] =	sst s7  }
0x10: {  	[smem:$0x3FAC] =	sst s8  }
0x11: {  	[smem:$0x3FAD] =	sst s9;
	s0 =	simm.s32 @!p0 $0x0  }
0x12: {  	s1 =	sld [smem:$0x3F93];
	s0 =	simm.s32 @p0 $0x1  }
0x13: {  	[smem:$0x3FAE] =	sst s0;
	s0 =	simm.s32 @!p1 $0x0  }
0x14: {  	s2 =	sld [smem:$0x3F92];
	s0 =	simm.s32 @p1 $0x1  }
0x15: {  	[smem:$0x3FAF] =	sst s0;
	s0 =	simm.s32 @!p2 $0x0  }
0x16: {  	s3 =	sld [smem:$0x3FDB];
	s0 =	simm.s32 @p2 $0x1  }
0x17: {  	s4 =	simm.s32 $0x1BF5;
	[smem:$0x3FB1] =	sst s0  }
0x18: {  	s0 =	sld [smem:$0x3F94];
	_ =	swait.ge [sflag:s4], $0x0  }
0x19: {  	s7 =	sld [smem:$0x3F95]  }
0x1a: {  	s8 =	sadd.s32 $0xFFFFE003, lr  }
0x1b: {  	s9 =	sadd.s32 $0xFFFFFEF7, lr;
	s5 =	simm.s32 $0xFFFFFFFF;
	p2 =	slt.u32 s8, $0xFFFFF086  }
0x1c: {  	p1 =	slt.u32 s9, $0xF7A;
	s5 =	simm.s32 @!p2 $0x0  }
0x1d: {  	s5 =	simm.s32 @p1 $0x1;
	p0 =	seq.s32 s7, s2  }
0x1e: {  	s7 =	smul.u32 @!p0 $0xF7A, s2;
	p2 =	seq.s32 @!p0 s5, $0x0  }
0x1f: {  	s9 =	smul.u32 $0xF7A, s1;
	s8 =	simm.s32 @!p0 $0x1BF5;
	p2 =	por !p2, p0  }
0x20: {  	[sflag:s8] =	ssyncset.s32 @!p0 $0xFFFFF086;
	s6 =	sadd.s32 @!p0 s3, s7;
	s7 =	simm.s32 @!p0 $0x108  }
0x21: {  	s3 =	sadd.s32 s3, s9;
	s6 =	sadd.s32 @!p0 $0x88, s6;
	s7 =	simm.s32 @p2 $0x1082  }
0x22: {  	[simem:s7], [sflag:s8] =	dma.local @!p0 [hbm:s6], $0xF7A  }
0x23: {  	s9 =	sor.u32 $0xD0000000, s2;
	s6 =	simm.s32 $0x108;
	_ =	swait.ge @!p0 [sflag:s8], $0x0  }
0x24: {  	s3 =	sadd.s32 $0x88, s3;
	s6 =	simm.s32 @!p1 $0x1082;
	[sflag:s4] =	ssyncset.s32 $0xFFFFF086  }
0x25: {  	[simem:s6], [sflag:s4] =	dma.local [hbm:s3], $0xF7A  }
0x26: {  	[smem:$0x3F95] =	sst s1;
	(tag) =	ssettag s2;
	_ =	strace s9  }
0x27: {  	s1 =	sld [smem:$0x3FA5]  }
0x28: {  	s2 =	sld [smem:$0x3FA6]  }
0x29: {  	s4 =	sld [smem:$0x3FA8]  }
0x2a: {  	p0 =	seq.s32 s5, $0x0;
	s5 =	sld [smem:$0x3FA9]  }
0x2b: {  	s6 =	sld [smem:$0x3FAA]  }
0x2c: {  	s7 =	sld [smem:$0x3FAB]  }
0x2d: {  	s3 =	simm.s32 $0x108;
	s8 =	sld [smem:$0x3FAC]  }
0x2e: {  	s3 =	simm.s32 @!p0 $0x1082;
	s9 =	sld [smem:$0x3FAD]  }
0x2f: {  	lr =	sadd.s32 s0, s3;
	s0 =	sld [smem:$0x3FA4]  }
0x30: {  	s3 =	sld [smem:$0x3FA7]  }
0x31: {  	[smem:$0x3FB0] =	sst s10  }
0x32: {  	s10 =	sld [smem:$0x3FAE];
	_ =	sdelay $0x3  }
0x33: {  	p0 =	seq.s32 s10, $0x1;
	s10 =	sld [smem:$0x3FB0];
	_ =	sdelay $0x3  }
0x34: {  	[smem:$0x3FB0] =	sst s10  }
0x35: {  	s10 =	sld [smem:$0x3FAF];
	_ =	sdelay $0x3  }
0x36: {  	p1 =	seq.s32 s10, $0x1;
	s10 =	sld [smem:$0x3FB0];
	_ =	sdelay $0x3  }
0x37: {  	[smem:$0x3FB0] =	sst s10  }
0x38: {  	s10 =	sld [smem:$0x3FB1]  }
0x39: {  	_ = 	snop;
	(pc) =	sbr.ind lr, $3  }
0x3a: {  	_ = 	snop  }
0x3b: {  	_ = 	snop  }
0x3c: {  	p2 =	seq.s32 s10, $0x1;
	s10 =	sld [smem:$0x3FB0]  }
0x3d: {  	_ =	shalt  }
0x3e: {  	_ =	shalt  }
0x3f: {  	_ =	shalt  }
0x40: {  	_ =	shalt  }
0x41: {  	_ =	shalt  }
0x42: {  	_ =	shalt  }
0x43: {  	_ =	shalt  }
0x44: {  	_ =	shalt  }
0x45: {  	_ =	shalt  }
0x46: {  	_ =	shalt  }
0x47: {  	_ =	shalt  }
0x48: {  	_ =	shalt  }
0x49: {  	_ =	shalt  }
0x4a: {  	_ =	shalt  }
0x4b: {  	_ =	shalt  }
0x4c: {  	_ =	shalt  }
0x4d: {  	_ =	shalt  }
0x4e: {  	_ =	shalt  }
0x4f: {  	_ =	shalt  }
0x50: {  	_ =	shalt  }
0x51: {  	_ =	shalt  }
0x52: {  	_ =	shalt  }
0x53: {  	_ =	shalt  }
0x54: {  	_ =	shalt  }
0x55: {  	_ =	shalt  }
0x56: {  	_ =	shalt  }
0x57: {  	_ =	shalt  }
0x58: {  	_ =	shalt  }
0x59: {  	_ =	shalt  }
0x5a: {  	_ =	shalt  }
0x5b: {  	_ =	shalt  }
0x5c: {  	_ =	shalt  }
0x5d: {  	_ =	shalt  }
0x5e: {  	_ =	shalt  }
0x5f: {  	_ =	shalt  }
0x60: {  	_ =	shalt  }
0x61: {  	_ =	shalt  }
0x62: {  	_ =	shalt  }
0x63: {  	_ =	shalt  }
0x64: {  	_ =	shalt  }
0x65: {  	_ =	shalt  }
0x66: {  	_ =	shalt  }
0x67: {  	_ =	shalt  }
0x68: {  	_ =	shalt  }
0x69: {  	_ =	shalt  }
0x6a: {  	_ =	shalt  }
0x6b: {  	_ =	shalt  }
0x6c: {  	_ =	shalt  }
0x6d: {  	_ =	shalt  }
0x6e: {  	_ =	shalt  }
0x6f: {  	_ =	shalt  }
0x70: {  	_ =	shalt  }
0x71: {  	_ =	shalt  }
0x72: {  	_ =	shalt  }
0x73: {  	_ =	shalt  }
0x74: {  	_ =	shalt  }
0x75: {  	_ =	shalt  }
0x76: {  	_ =	shalt  }
0x77: {  	_ =	shalt  }
0x78: {  	_ =	shalt  }
0x79: {  	_ =	shalt  }
0x7a: {  	_ =	shalt  }
0x7b: {  	_ =	shalt  }
0x7c: {  	_ =	shalt  }
0x7d: {  	_ =	shalt  }
0x7e: {  	_ =	shalt  }
0x7f: {  	_ =	shalt  }
0x80: {  	_ =	shalt  }
0x81: {  	_ =	shalt  }
0x82: {  	_ =	shalt  }
0x83: {  	_ =	shalt  }
0x84: {  	_ =	shalt  }
0x85: {  	_ =	shalt  }
0x86: {  	_ =	shalt  }
0x87: {  	_ =	shalt  }
.Lfunc_end0:
.L_simem_size_0:
called_computation.3_lowered:
.L_overlay_start_0:
0x88: {  	s2 =	sld [smem:$0x3FD9]  }
0x89: {  	s3 =	sld [smem:$0x3FFE];
	_ =	sdelay $0x1  }
0x8a: {  	s1 =	srdreg.scid  }
0x8b: {  	s0 =	sand.u32 $0x1, s1  }
0x8c: {  	s16 =	sshll.u32 s0, $0xA;
	s2 =	sadd.s32 s3, s2  }
0x8d: {  	s2 =	sadd.s32 s2, s16  }
0x8e: {  	[smem:$0x3FBC] =	sst s2  }
0x8f: {  	_ = 	snop  }
0x90: {  	(tm) =	ssettm $0x1  }
0x91: {  	s17 =	sld [smem:$0x3FFB];
	_ =	sdelay $0x3  }
0x92: {  	_ =	strace s17  }
0x93: {  	s2 =	sld [smem:$0x3FFC];
	_ =	sdelay $0x3  }
0x94: {  	_ =	strace s2  }
0x95: {  	s2 =	sld [smem:$0x3FFD];
	_ =	sdelay $0x3  }
0x96: {  	_ =	strace s2  }
0x97: {  	_ =	strace $0x8FFFFFFF  }
0x98: {  	s18 =	sld [smem:$0x3FDB];
	_ =	sdelay $0x1  }
0x99: {  	s19 =	simm.s32 $_scs_section_size  }
0x9a: {  	s4 =	simm.s32 $_size__tile_overlayer_lowered;
	s5 =	simm.s32 $_tile_overlayer_lowered  }
0x9b: {  	s22 =	simm.s32 $0x1BFF;
	s21 =	sshll.u32 s5, $0x1;
	s2 =	sadd.s32 s19, s18  }
0x9c: {  	s6 =	simm.s32 $0x0;
	s20 =	sshll.u32 s4, $0x1;
	s4 =	sadd.s32 s21, s2  }
0x9d: {  	[timem:s6], [sflag:s22] =	dma.local [hbm:s4], s20  }
0x9e: {  	_ =	swait.ge [sflag:s22], s20  }
0x9f: {  	s3 =	ssub.s32 $0x0, s20;
	[sflag:s22] =	ssyncset.done $0x0  }
0xa0: {  	[sflag:s22] =	ssyncadd.s32 s3;
	_ =	sdelay $0x1  }
0xa1: {  	s23 =	simm.s32 $0x1B8B  }
0xa2: {  	_ =	swait.ge [sflag:s23], $0x1  }
0xa3: {  	[sflag:s23] =	ssyncset.done $0x0  }
0xa4: {  	s25 =	simm.s32 $0x1B8E;
	s24 =	sld [smem:$0x3FFE];
	[sflag:s23] =	ssyncadd.s32 $0xFFFFFFFF  }
0xa5: {  	s26 =	simm.s32 $execute0_lowered;
	[smem:$0x3FD2] =	sst s25  }
0xa6: {  	s4 =	sshll.u32 s26, $0x1;
	_ =	strace $0x8000004F;
	[dreg:$0x1] =	wrdreg $0xFFFFFFFF  }
0xa7: {  	s28 =	simm.s32 $_size_execute0_lowered;
	s2 =	sadd.s32 s2, s4;
	[dreg:$0x0] =	wrdreg $0x0  }
0xa8: {  	s4 =	sshll.u32 s28, $0x1;
	[dreg:$0x2] =	wrdreg s2  }
0xa9: {  	[dreg:$0x3] =	wrdreg s4  }
0xaa: {  	[dreg:$0x4] =	wrdreg $0xC0  }
0xab: {  	_ =	task [dreg:s6], $0x5FFFF  }
0xac: {  	[dreg:$0x1] =	wrdreg $0xFFFFFFFF  }
0xad: {  	[dreg:$0x0] =	wrdreg $0x60  }
0xae: {  	[dreg:$0x2] =	wrdreg s24  }
0xaf: {  	[dreg:$0x3] =	wrdreg $0x7E100  }
0xb0: {  	[dreg:$0x4] =	wrdreg $0x57000  }
0xb1: {  	[dreg:$0x5] =	wrdreg $0x9  }
0xb2: {  	_ =	task.clear_ibuf [dreg:s6], $0x6FFFF;
	_ =	strace $0x9000004F  }
0xb3: {  	s29 =	simm.s32 $0x9;
	_ =	strace $0x80000051  }
0xb4: {  	_ =	swait.ge [sflag:s29], $0x1  }
0xb5: {  	[sflag:s29] =	ssyncadd.s32 $0xFFFFFFFF  }
0xb6: {  	_ =	strace $0x90000051  }
0xb7: {  	_ =	sfence  }
0xb8: {  	s30 =	sld [smem:$0x0];
	_ =	sdelay $0x2  }
0xb9: {  	s31 =	sshll.u32 s1, $0xD;
	s1 =	sshrl.u32 s1, $0x2  }
0xba: {  	s3 =	sand.u32 $0x4000, s31;
	s1 =	sadd.s32 s1, s30  }
0xbb: {  	s0 =	sor.u32 s3, s0;
	s1 =	sshll.u32 s1, $0x11  }
0xbc: {  	s0 =	sor.u32 s1, s0  }
0xbd: {  	s0 =	sadd.s32 $0x8F2B, s0  }
0xbe: {  	[sflag:s0] =	ssyncadd.remote.s32 $0x1  }
0xbf: {  	_ =	sfence.sel $0xFFFF  }
0xc0: {  	[dreg:$0x0] =	wrdreg $0xFFFFFFFF;
	(pc) =	sbr.abs _section_cstart, $3  }
0xc1: {  	[dreg:$0x1] =	wrdreg $0xFFFFFFFF  }
0xc2: {  	_ =	task.clear_ibuf [dreg:s6], $0x2FFFF;
	_ =	strace $0x9FFFFFFF  }
0xc3: {  	(tm) =	ssettm $0x7FFFFFFF  }
tec
execute0_lowered:
.L_overlay_start_1:
0x0: {  	(tag) =	ssettag $0x1  }
0x1: {  	s6 =	rddreg [dreg:$0x0]  }
0x2: {  	s2 =	rddreg [dreg:$0x1]  }
0x3: {  	s3 =	rddreg [dreg:$0x2]  }
0x4: {  	s0 =	rddreg [dreg:$0x3]  }
0x5: {  	s1 =	stileid.u32;
	s4 =	srdreg.scid;
	s17 =	simm.s32 $0x4F00  }
0x6: {  	s18 =	simm.s32 $0x1;
	s19 =	simm.s32 $0x0;
	s7 =	smul.u32 $0x2710, s1  }
0x7: {  	s5 =	sand.u32 $0x1, s4;
	s8 =	sshll.u32 s1, $0x1;
	s9 =	smul.u32 $0x2780, s1  }
0x8: {  	s4 =	simm.s32 $0x0;
	s31 =	sshll.u32 s1, $0x6;
	s8 =	sor.u32 s5, s8  }
0x9: {  	s10 =	smul.u32 $0x27800, s5;
	[smem:$0x7FF] =	sst s4;
	s29 =	ssub.s32 $0x2, s5  }
0xa: {  	s5 =	sadd.s32 $0xD000, s6;
	s11 =	sshrl.u32 s7, $0x3;
	s8 =	smul.u32 $0x4F0, s8  }
0xb: {  	_ =	strace $0x80000050;
	s30 =	sshrl.u32 s29, $0x1;
	s15 =	sadd.s32 s9, s2  }
0xc: {  	s16 =	sadd.s32 s7, s3;
	s11 =	sadd.s32 s11, s6;
	s10 =	sadd.s32 s9, s10  }
0xd: {  	s14 =	ssub.s32 s29, s30;
	s12 =	sadd.s32 s8, s6;
	s28 =	sshrl.u32 s10, $0x3  }
0xe: {  	s7 =	sadd.s32 $0xD600, s11;
	s11 =	smax.u32 s14, $0x1;
	s14 =	sshrl.u32 s16, $0x3  }
0xf: {  	s16 =	simm.s32 $0x80;
	s13 =	sadd.s32 s28, s6;
	s6 =	sor.u32 $0x1C02, s31  }
0x10: {  	s8 =	sadd.s32 $0x17400, s12;
	s9 =	sadd.s32 $0x3200, s12;
	s12 =	sshrl.u32 s15, $0x3  }
0x11: {  	s15 =	simm.s32 $0x2780;
	s10 =	sadd.s32 $0x6F400, s13;
	s13 =	simm.s32 $0x2  }
.LBB2_1:
0x12: {  	[spmem:s12], [sflag:s6] =	dma.local [hbm:s5], $0x4F0  }
0x13: {  	_ =	swait.ge [sflag:s13], $0x4F0  }
0x14: {  	[sflag:s13] =	ssyncset.done $0x0  }
0x15: {  	[sflag:s13] =	ssyncadd.s32 $0xFFFFFB10  }
0x16: {  	[spmem:s14], [sflag:s6] =	dma.local [hbm:s7], $0x4E2  }
0x17: {  	_ =	swait.ge [sflag:s13], $0x4E2  }
0x18: {  	[sflag:s13] =	ssyncset.done $0x0  }
0x19: {  	[sflag:s13] =	ssyncadd.s32 $0xFFFFFB1E  }
0x1a: {  	[tilespmem:s4], [sflag:$0x2] =	stream.linear.gather [hbm4b:s8+s4], $0x2780, $0x38;
	[tilespmem:$0xA590] =	vst v63  }
0x1b: {  	_ =	swait.ge [sflag:s13], $0x2780  }
0x1c: {  	[sflag:s13] =	ssyncset.done $0x0  }
0x1d: {  	[sflag:s13] =	ssyncadd.s32 $0xFFFFD880  }
0x1e: {  	[tilespmem:s15], [sflag:$0x2] =	stream.linear.gather [hbm4b:s9+s4], $0x2780, $0x38;
	[tilespmem:$0xA590] =	vst v63  }
0x1f: {  	_ =	swait.ge [sflag:s13], $0x2780  }
0x20: {  	[sflag:s13] =	ssyncset.done $0x0  }
0x21: {  	[sflag:s13] =	ssyncadd.s32 $0xFFFFD880  }
0x22: {  	s20 =	simm.s32 $0x0;
	[bflag:$0x0] =	sbarrier.arrive $0xFFFF  }
0x23: {  	[tilespmem:s17], [sflag:$0x1] =	stream.indirect.gather [spmem:s3], $0x10, s20, s16, $0xb8;
	[tilespmem:$0xA590] =	vst v63  }
0x24: {  	_ =	swait.ge [sflag:s18], $0x800  }
0x25: {  	[sflag:s18] =	ssyncset.done $0x0  }
0x26: {  	s31 =	simm.s32 $0x2780;
	[sflag:s18] =	ssyncadd.s32 $0xFFFFF800  }
0x27: {  	[spmem:s2] =	stream.indirect.scatter.add.f32 [tilespmem:s17], [sflag:$0x2], $0x10, s31, s16, $0xb8;
	[tilespmem:$0xA590] =	vst v63  }
0x28: {  	_ =	swait.ge [sflag:s13], $0x800  }
0x29: {  	s21 =	simm.s32 $0x400;
	s20 =	simm.s32 $0x200;
	[sflag:s13] =	ssyncset.done $0x0  }
.LBB2_2:
0x2a: {  	s22 =	sshra.s32 s20, $0x2  }
0x2b: {  	[sflag:s13] =	ssyncadd.s32 $0xFFFFF800;
	s20 =	smov.u32 s21;
	s23 =	sadd.s32 $0x200, s21  }
0x2c: {  	[tilespmem:s17], [sflag:$0x1] =	stream.indirect.gather [spmem:s3], $0x10, s22, s16, $0xb8;
	[tilespmem:$0xA590] =	vst v63  }
0x2d: {  	p0 =	sne.s32 s21, $0x9C00;
	_ =	swait.ge [sflag:s18], $0x800  }
.Ltmp0:
0x2e: {  	[sflag:s18] =	ssyncset.done $0x0;
	(pc) =	sbr.rel @p0 .LBB2_2-.Ltmp0, $4  }
0x2f: {  	s21 =	sadd.s32 $0x2780, s22;
	[sflag:s18] =	ssyncadd.s32 $0xFFFFF800  }
0x30: {  	[spmem:s2] =	stream.indirect.scatter.add.f32 [tilespmem:s17], [sflag:$0x2], $0x10, s21, s16, $0xb8;
	[tilespmem:$0xA590] =	vst v63  }
0x31: {  	_ =	swait.ge [sflag:s13], $0x800  }
0x32: {  	s21 =	smov.u32 s23;
	[sflag:s13] =	ssyncset.done $0x0  }
0x33: {  	s20 =	sshra.s32 s20, $0x2;
	[sflag:s13] =	ssyncadd.s32 $0xFFFFF800  }
0x34: {  	[tilespmem:s17], [sflag:$0x1] =	stream.indirect.gather [spmem:s3], $0x10, s20, s16, $0xb8;
	[tilespmem:$0xA590] =	vst v63  }
0x35: {  	_ =	swait.ge [sflag:s18], $0x800  }
0x36: {  	[sflag:s18] =	ssyncset.done $0x0  }
0x37: {  	s20 =	sadd.s32 $0x2780, s20;
	[sflag:s18] =	ssyncadd.s32 $0xFFFFF800  }
0x38: {  	[spmem:s2] =	stream.indirect.scatter.add.f32 [tilespmem:s17], [sflag:$0x2], $0x10, s20, s16, $0xb8;
	[tilespmem:$0xA590] =	vst v63  }
0x39: {  	_ =	swait.ge [sflag:s13], $0x800  }
0x3a: {  	s19 =	sadd.s32 $0x1, s19;
	[sflag:s13] =	ssyncset.done $0x0  }
0x3b: {  	p0 =	sne.s32 s19, s11;
	[sflag:s13] =	ssyncadd.s32 $0xFFFFF800  }
.Ltmp1:
0x3c: {  	[bflag:$0x0] =	sbarrier.arrive $0xFFFF;
	(pc) =	sbr.rel @p0 .LBB2_1-.Ltmp1, $4  }
0x3d: {  	[hbm:s10], [sflag:s6] =	dma.local [spmem:s12], $0x4F0  }
0x3e: {  	_ =	swait.ge [sflag:s13], $0x4F0  }
0x3f: {  	[sflag:s13] =	ssyncset.done $0x0  }
0x40: {  	[sflag:s13] =	ssyncadd.s32 $0xFFFFFB10  }
0x41: {  	_ =	sfence.sel $0x180000  }
0x42: {  	[bflag:$0x0] =	sbarrier.arrive $0xFFFF  }
0x43: {  	p0 =	sne.s32 s1, $0x0;
	_ =	strace $0x90000050  }
0x44: {  	s0 =	sadd.s32 @!p0 $0x100000, s0;
	[bflag:$0x2] =	sbarrier.arrive $0xFFFF  }
0x45: {  	[sflag:s0] =	ssyncadd.tile.s32 @!p0 $0x1;
	_ =	shalt  }
.Lfunc_end2:
_tile_overlayer_lowered:
.L_overlay_start_2:
0x46: {  	(tag) =	ssettag $0x2  }
0x47: {  	s0 =	rddreg [dreg:$0x0];
	s2 =	stileid.u32  }
0x48: {  	s1 =	rddreg [dreg:$0x1];
	p0 =	sne.s32 s2, $0x0  }
0x49: {  	s3 =	rddreg [dreg:$0x2];
	[bflag:$0x3] =	sbarrier.arrive $0xFFFF;
	s2 =	simm.s32 @!p0 $0x1C02  }
0x4a: {  	[timem:s3], [sflag:s2] =	dma.local @!p0 [hbm:s0], s1  }
0x4b: {  	s0 =	simm.s32 @!p0 $0x2  }
0x4c: {  	_ =	swait.ge @!p0 [sflag:s0], s1  }
0x4d: {  	s1 =	ssub.s32 @!p0 $0x0, s1;
	[sflag:s0] =	ssyncset.done @!p0 $0x0  }
0x4e: {  	[sflag:s0] =	ssyncadd.s32 @!p0 s1  }
0x4f: {  	[bflag:$0x3] =	sbarrier.arrive $0xFFFF  }
0x50: {  	_ =	shalt  }

// kernel: kernel.23.cloned.1.call-start
scs
__scs_entry_jumppad:
0x0: {  	(pc) =	sbr.rel $0x88, $3  }
0x1: {  	(tag) =	ssettag $0x0;
	lr =	simm.s32 $0x1  }
0x2: {  	[smem:$0x3F95] =	sst lr;
	_ =	strace $0xD0000000  }
0x3: {  	_ = 	snop  }
0x4: {  	_ = 	snop  }
0x5: {  	_ = 	snop  }
0x6: {  	_ = 	snop  }
0x7: {  	_ = 	snop  }
__scs_overlays_trampoline_lowered:
0x8: {  	[smem:$0x3FA4] =	sst s0  }
0x9: {  	[smem:$0x3FA5] =	sst s1  }
0xa: {  	[smem:$0x3FA6] =	sst s2  }
0xb: {  	[smem:$0x3FA7] =	sst s3  }
0xc: {  	[smem:$0x3FA8] =	sst s4  }
0xd: {  	[smem:$0x3FA9] =	sst s5  }
0xe: {  	[smem:$0x3FAA] =	sst s6  }
0xf: {  	[smem:$0x3FAB] =	sst s7  }
0x10: {  	[smem:$0x3FAC] =	sst s8  }
0x11: {  	[smem:$0x3FAD] =	sst s9;
	s0 =	simm.s32 @!p0 $0x0  }
0x12: {  	s1 =	sld [smem:$0x3F93];
	s0 =	simm.s32 @p0 $0x1  }
0x13: {  	[smem:$0x3FAE] =	sst s0;
	s0 =	simm.s32 @!p1 $0x0  }
0x14: {  	s2 =	sld [smem:$0x3F92];
	s0 =	simm.s32 @p1 $0x1  }
0x15: {  	[smem:$0x3FAF] =	sst s0;
	s0 =	simm.s32 @!p2 $0x0  }
0x16: {  	s3 =	sld [smem:$0x3FDB];
	s0 =	simm.s32 @p2 $0x1  }
0x17: {  	s4 =	simm.s32 $0x1BF5;
	[smem:$0x3FB1] =	sst s0  }
0x18: {  	s0 =	sld [smem:$0x3F94];
	_ =	swait.ge [sflag:s4], $0x0  }
0x19: {  	s7 =	sld [smem:$0x3F95]  }
0x1a: {  	s8 =	sadd.s32 $0xFFFFE003, lr  }
0x1b: {  	s9 =	sadd.s32 $0xFFFFFEF7, lr;
	s5 =	simm.s32 $0xFFFFFFFF;
	p2 =	slt.u32 s8, $0xFFFFF086  }
0x1c: {  	p1 =	slt.u32 s9, $0xF7A;
	s5 =	simm.s32 @!p2 $0x0  }
0x1d: {  	s5 =	simm.s32 @p1 $0x1;
	p0 =	seq.s32 s7, s2  }
0x1e: {  	s7 =	smul.u32 @!p0 $0xF7A, s2;
	p2 =	seq.s32 @!p0 s5, $0x0  }
0x1f: {  	s9 =	smul.u32 $0xF7A, s1;
	s8 =	simm.s32 @!p0 $0x1BF5;
	p2 =	por !p2, p0  }
0x20: {  	[sflag:s8] =	ssyncset.s32 @!p0 $0xFFFFF086;
	s6 =	sadd.s32 @!p0 s3, s7;
	s7 =	simm.s32 @!p0 $0x108  }
0x21: {  	s3 =	sadd.s32 s3, s9;
	s6 =	sadd.s32 @!p0 $0x88, s6;
	s7 =	simm.s32 @p2 $0x1082  }
0x22: {  	[simem:s7], [sflag:s8] =	dma.local @!p0 [hbm:s6], $0xF7A  }
0x23: {  	s9 =	sor.u32 $0xD0000000, s2;
	s6 =	simm.s32 $0x108;
	_ =	swait.ge @!p0 [sflag:s8], $0x0  }
0x24: {  	s3 =	sadd.s32 $0x88, s3;
	s6 =	simm.s32 @!p1 $0x1082;
	[sflag:s4] =	ssyncset.s32 $0xFFFFF086  }
0x25: {  	[simem:s6], [sflag:s4] =	dma.local [hbm:s3], $0xF7A  }
0x26: {  	[smem:$0x3F95] =	sst s1;
	(tag) =	ssettag s2;
	_ =	strace s9  }
0x27: {  	s1 =	sld [smem:$0x3FA5]  }
0x28: {  	s2 =	sld [smem:$0x3FA6]  }
0x29: {  	s4 =	sld [smem:$0x3FA8]  }
0x2a: {  	p0 =	seq.s32 s5, $0x0;
	s5 =	sld [smem:$0x3FA9]  }
0x2b: {  	s6 =	sld [smem:$0x3FAA]  }
0x2c: {  	s7 =	sld [smem:$0x3FAB]  }
0x2d: {  	s3 =	simm.s32 $0x108;
	s8 =	sld [smem:$0x3FAC]  }
0x2e: {  	s3 =	simm.s32 @!p0 $0x1082;
	s9 =	sld [smem:$0x3FAD]  }
0x2f: {  	lr =	sadd.s32 s0, s3;
	s0 =	sld [smem:$0x3FA4]  }
0x30: {  	s3 =	sld [smem:$0x3FA7]  }
0x31: {  	[smem:$0x3FB0] =	sst s10  }
0x32: {  	s10 =	sld [smem:$0x3FAE];
	_ =	sdelay $0x3  }
0x33: {  	p0 =	seq.s32 s10, $0x1;
	s10 =	sld [smem:$0x3FB0];
	_ =	sdelay $0x3  }
0x34: {  	[smem:$0x3FB0] =	sst s10  }
0x35: {  	s10 =	sld [smem:$0x3FAF];
	_ =	sdelay $0x3  }
0x36: {  	p1 =	seq.s32 s10, $0x1;
	s10 =	sld [smem:$0x3FB0];
	_ =	sdelay $0x3  }
0x37: {  	[smem:$0x3FB0] =	sst s10  }
0x38: {  	s10 =	sld [smem:$0x3FB1]  }
0x39: {  	_ = 	snop;
	(pc) =	sbr.ind lr, $3  }
0x3a: {  	_ = 	snop  }
0x3b: {  	_ = 	snop  }
0x3c: {  	p2 =	seq.s32 s10, $0x1;
	s10 =	sld [smem:$0x3FB0]  }
0x3d: {  	_ =	shalt  }
0x3e: {  	_ =	shalt  }
0x3f: {  	_ =	shalt  }
0x40: {  	_ =	shalt  }
0x41: {  	_ =	shalt  }
0x42: {  	_ =	shalt  }
0x43: {  	_ =	shalt  }
0x44: {  	_ =	shalt  }
0x45: {  	_ =	shalt  }
0x46: {  	_ =	shalt  }
0x47: {  	_ =	shalt  }
0x48: {  	_ =	shalt  }
0x49: {  	_ =	shalt  }
0x4a: {  	_ =	shalt  }
0x4b: {  	_ =	shalt  }
0x4c: {  	_ =	shalt  }
0x4d: {  	_ =	shalt  }
0x4e: {  	_ =	shalt  }
0x4f: {  	_ =	shalt  }
0x50: {  	_ =	shalt  }
0x51: {  	_ =	shalt  }
0x52: {  	_ =	shalt  }
0x53: {  	_ =	shalt  }
0x54: {  	_ =	shalt  }
0x55: {  	_ =	shalt  }
0x56: {  	_ =	shalt  }
0x57: {  	_ =	shalt  }
0x58: {  	_ =	shalt  }
0x59: {  	_ =	shalt  }
0x5a: {  	_ =	shalt  }
0x5b: {  	_ =	shalt  }
0x5c: {  	_ =	shalt  }
0x5d: {  	_ =	shalt  }
0x5e: {  	_ =	shalt  }
0x5f: {  	_ =	shalt  }
0x60: {  	_ =	shalt  }
0x61: {  	_ =	shalt  }
0x62: {  	_ =	shalt  }
0x63: {  	_ =	shalt  }
0x64: {  	_ =	shalt  }
0x65: {  	_ =	shalt  }
0x66: {  	_ =	shalt  }
0x67: {  	_ =	shalt  }
0x68: {  	_ =	shalt  }
0x69: {  	_ =	shalt  }
0x6a: {  	_ =	shalt  }
0x6b: {  	_ =	shalt  }
0x6c: {  	_ =	shalt  }
0x6d: {  	_ =	shalt  }
0x6e: {  	_ =	shalt  }
0x6f: {  	_ =	shalt  }
0x70: {  	_ =	shalt  }
0x71: {  	_ =	shalt  }
0x72: {  	_ =	shalt  }
0x73: {  	_ =	shalt  }
0x74: {  	_ =	shalt  }
0x75: {  	_ =	shalt  }
0x76: {  	_ =	shalt  }
0x77: {  	_ =	shalt  }
0x78: {  	_ =	shalt  }
0x79: {  	_ =	shalt  }
0x7a: {  	_ =	shalt  }
0x7b: {  	_ =	shalt  }
0x7c: {  	_ =	shalt  }
0x7d: {  	_ =	shalt  }
0x7e: {  	_ =	shalt  }
0x7f: {  	_ =	shalt  }
0x80: {  	_ =	shalt  }
0x81: {  	_ =	shalt  }
0x82: {  	_ =	shalt  }
0x83: {  	_ =	shalt  }
0x84: {  	_ =	shalt  }
0x85: {  	_ =	shalt  }
0x86: {  	_ =	shalt  }
0x87: {  	_ =	shalt  }
.Lfunc_end0:
.L_simem_size_0:
called_computation.4_lowered:
.L_overlay_start_0:
0x88: {  	s2 =	sld [smem:$0x3FD9]  }
0x89: {  	s3 =	sld [smem:$0x3FFE];
	_ =	sdelay $0x1  }
0x8a: {  	s1 =	srdreg.scid  }
0x8b: {  	s0 =	sand.u32 $0x1, s1  }
0x8c: {  	s16 =	sshll.u32 s0, $0xA;
	s2 =	sadd.s32 s3, s2  }
0x8d: {  	s2 =	sadd.s32 s2, s16  }
0x8e: {  	[smem:$0x3FBC] =	sst s2  }
0x8f: {  	_ = 	snop  }
0x90: {  	(tm) =	ssettm $0x1  }
0x91: {  	s17 =	sld [smem:$0x3FFB];
	_ =	sdelay $0x3  }
0x92: {  	_ =	strace s17  }
0x93: {  	s2 =	sld [smem:$0x3FFC];
	_ =	sdelay $0x3  }
0x94: {  	_ =	strace s2  }
0x95: {  	s2 =	sld [smem:$0x3FFD];
	_ =	sdelay $0x3  }
0x96: {  	_ =	strace s2  }
0x97: {  	_ =	strace $0x8FFFFFFF  }
0x98: {  	s18 =	sld [smem:$0x3FDB];
	_ =	sdelay $0x1  }
0x99: {  	s19 =	simm.s32 $_scs_section_size  }
0x9a: {  	s4 =	simm.s32 $_size__tile_overlayer_lowered;
	s5 =	simm.s32 $_tile_overlayer_lowered  }
0x9b: {  	s22 =	simm.s32 $0x1BFF;
	s21 =	sshll.u32 s5, $0x1;
	s2 =	sadd.s32 s19, s18  }
0x9c: {  	s6 =	simm.s32 $0x0;
	s20 =	sshll.u32 s4, $0x1;
	s4 =	sadd.s32 s21, s2  }
0x9d: {  	[timem:s6], [sflag:s22] =	dma.local [hbm:s4], s20  }
0x9e: {  	_ =	swait.ge [sflag:s22], s20  }
0x9f: {  	s3 =	ssub.s32 $0x0, s20;
	[sflag:s22] =	ssyncset.done $0x0  }
0xa0: {  	[sflag:s22] =	ssyncadd.s32 s3;
	_ =	sdelay $0x1  }
0xa1: {  	s23 =	simm.s32 $0x1B8B  }
0xa2: {  	_ =	swait.ge [sflag:s23], $0x1  }
0xa3: {  	[sflag:s23] =	ssyncset.done $0x0  }
0xa4: {  	s25 =	simm.s32 $0x1B8E;
	s24 =	sld [smem:$0x3FFE];
	[sflag:s23] =	ssyncadd.s32 $0xFFFFFFFF  }
0xa5: {  	s26 =	simm.s32 $execute0_lowered;
	[smem:$0x3FD2] =	sst s25  }
0xa6: {  	s4 =	sshll.u32 s26, $0x1;
	_ =	strace $0x80000052;
	[dreg:$0x1] =	wrdreg $0xFFFFFFFF  }
0xa7: {  	s28 =	simm.s32 $_size_execute0_lowered;
	s2 =	sadd.s32 s2, s4;
	[dreg:$0x0] =	wrdreg $0x0  }
0xa8: {  	s4 =	sshll.u32 s28, $0x1;
	[dreg:$0x2] =	wrdreg s2  }
0xa9: {  	[dreg:$0x3] =	wrdreg s4  }
0xaa: {  	[dreg:$0x4] =	wrdreg $0xC0  }
0xab: {  	_ =	task [dreg:s6], $0x5FFFF  }
0xac: {  	[dreg:$0x1] =	wrdreg $0xFFFFFFFF  }
0xad: {  	[dreg:$0x0] =	wrdreg $0x60  }
0xae: {  	[dreg:$0x2] =	wrdreg s24  }
0xaf: {  	[dreg:$0x3] =	wrdreg $0x31000  }
0xb0: {  	[dreg:$0x4] =	wrdreg $0x9  }
0xb1: {  	_ =	task.clear_ibuf [dreg:s6], $0x5FFFF;
	_ =	strace $0x90000052  }
0xb2: {  	s29 =	simm.s32 $0x9;
	_ =	strace $0x80000054  }
0xb3: {  	_ =	swait.ge [sflag:s29], $0x1  }
0xb4: {  	[sflag:s29] =	ssyncadd.s32 $0xFFFFFFFF  }
0xb5: {  	_ =	strace $0x90000054  }
0xb6: {  	_ =	sfence  }
0xb7: {  	s30 =	sld [smem:$0x0];
	_ =	sdelay $0x2  }
0xb8: {  	s31 =	sshll.u32 s1, $0xD;
	s1 =	sshrl.u32 s1, $0x2  }
0xb9: {  	s3 =	sand.u32 $0x4000, s31;
	s1 =	sadd.s32 s1, s30  }
0xba: {  	s0 =	sor.u32 s3, s0;
	s1 =	sshll.u32 s1, $0x11  }
0xbb: {  	s0 =	sor.u32 s1, s0  }
0xbc: {  	s0 =	sadd.s32 $0x8F2B, s0  }
0xbd: {  	[sflag:s0] =	ssyncadd.remote.s32 $0x1  }
0xbe: {  	_ =	sfence.sel $0xFFFF  }
0xbf: {  	[dreg:$0x0] =	wrdreg $0xFFFFFFFF;
	(pc) =	sbr.abs _section_cstart, $3  }
0xc0: {  	[dreg:$0x1] =	wrdreg $0xFFFFFFFF  }
0xc1: {  	_ =	task.clear_ibuf [dreg:s6], $0x2FFFF;
	_ =	strace $0x9FFFFFFF  }
0xc2: {  	(tm) =	ssettm $0x7FFFFFFF  }
0xc3: {  	_ =	shalt  }
tec
execute0_lowered:
.L_overlay_start_1:
0x0: {  	(tag) =	ssettag $0x1  }
0x1: {  	s5 =	rddreg [dreg:$0x0]  }
0x2: {  	s2 =	rddreg [dreg:$0x1];
	s1 =	stileid.u32  }
0x3: {  	s3 =	srdreg.scid;
	s0 =	rddreg [dreg:$0x2]  }
0x4: {  	s12 =	simm.s32 $0x3;
	s13 =	simm.s32 $0xC80;
	s14 =	simm.s32 $0x80  }
0x5: {  	s15 =	simm.s32 $0x1900;
	s16 =	simm.s32 $0x2100;
	s17 =	simm.s32 $0x1  }
0x6: {  	s18 =	simm.s32 $0x2;
	s19 =	simm.s32 $0x2900;
	s20 =	simm.s32 $0x0  }
0x7: {  	s6 =	sand.u32 $0x1, s3;
	s4 =	sshll.u32 s1, $0x1;
	s3 =	simm.s32 $0x0  }
0x8: {  	s7 =	smul.u32 $0x2710, s1;
	s31 =	sshll.u32 s1, $0x6;
	s4 =	sor.u32 s6, s4  }
0x9: {  	[smem:$0x7FF] =	sst s3;
	s6 =	ssub.s32 $0x2, s6;
	s4 =	smul.u32 $0xC80, s4  }
0xa: {  	_ =	strace $0x80000053;
	s8 =	sshrl.u32 s7, $0x3;
	s10 =	sshrl.u32 s6, $0x1  }
0xb: {  	s11 =	sadd.s32 s7, s2;
	s7 =	sor.u32 $0x1C03, s31;
	s8 =	sadd.s32 s8, s5  }
0xc: {  	s10 =	ssub.s32 s6, s10;
	s11 =	sshrl.u32 s11, $0x3;
	s9 =	sshrl.u32 s4, $0x3  }
0xd: {  	s6 =	sadd.s32 $0x3200, s8;
	s10 =	smax.u32 s10, $0x1;
	s9 =	sadd.s32 s9, s5  }
0xe: {  	s5 =	sadd.s32 $0x15800, s5;
	s8 =	sadd.s32 $0x79200, s9;
	s9 =	sadd.s32 $0x12600, s9  }
.LBB2_1:
0xf: {  	[spmem:s11], [sflag:s7] =	dma.local [hbm:s6], $0x4E2  }
0x10: {  	_ =	swait.ge [sflag:s12], $0x4E2  }
0x11: {  	[sflag:s12] =	ssyncset.done $0x0  }
0x12: {  	[sflag:s12] =	ssyncadd.s32 $0xFFFFFB1E  }
0x13: {  	[tilespmem:s3], [sflag:$0x3] =	stream.linear.gather [hbm4b:s8+s3], $0xC80, $0x38;
	[tilespmem:$0x5810] =	vst v63  }
0x14: {  	_ =	swait.ge [sflag:s12], $0xC80  }
0x15: {  	[sflag:s12] =	ssyncset.done $0x0  }
0x16: {  	[sflag:s12] =	ssyncadd.s32 $0xFFFFF380  }
0x17: {  	[tilespmem:s13], [sflag:$0x3] =	stream.linear.gather [hbm4b:s9+s3], $0xC80, $0x38;
	[tilespmem:$0x5810] =	vst v63  }
0x18: {  	_ =	swait.ge [sflag:s12], $0xC80  }
0x19: {  	[sflag:s12] =	ssyncset.done $0x0  }
0x1a: {  	[sflag:s12] =	ssyncadd.s32 $0xFFFFF380  }
0x1b: {  	s21 =	simm.s32 $0x0;
	[bflag:$0x0] =	sbarrier.arrive $0xFFFF  }
.LBB2_2:
0x1c: {  	s22 =	sshll.u32 s21, $0x7  }
0x1d: {  	[tilespmem:s15], [sflag:$0x1] =	stream.indirect.gather [spmem:s2], $0x10, s22, s14, $0xb8;
	[tilespmem:$0x5810] =	vst v63  }
0x1e: {  	s23 =	sadd.s32 $0xC80, s22  }
0x1f: {  	[tilespmem:s16], [sflag:$0x2] =	stream.indirect.gather [spmem:s2], $0x10, s23, s14, $0xb8;
	[tilespmem:$0x5810] =	vst v63  }
0x20: {  	_ =	swait.ge [sflag:s17], $0x800  }
0x21: {  	[sflag:s17] =	ssyncset.done $0x0  }
0x22: {  	[sflag:s17] =	ssyncadd.s32 $0xFFFFF800  }
0x23: {  	_ =	swait.ge [sflag:s18], $0x800  }
0x24: {  	[sflag:s18] =	ssyncset.done $0x0  }
0x25: {  	s23 =	simm.s32 $0x0;
	[sflag:s18] =	ssyncadd.s32 $0xFFFFF800  }
0x26: {  	v0 =	vld [tilespmem:s23+$0x1900]  }
0x27: {  	v1 =	vld [tilespmem:s23+$0x2100];
	_ =	sdelay $0x2  }
0x28: {  	s24 =	simm.s32 $0x40  }
.LBB2_3:
0x29: {  	s25 =	sshra.s32 s24, $0x2;
	p0 =	sne.s32 s24, $0x1FC0  }
.Ltmp0:
0x2a: {  	s24 =	sadd.s32 $0x40, s24;
	v2 =	vsub.f32 v0, v1;
	v0 =	vld [tilespmem:s25+$0x1900];
	(pc) =	sbr.rel @p0 .LBB2_3-.Ltmp0, $3  }
0x2b: {  	v1 =	vld [tilespmem:s25+$0x2100]  }
0x2c: {  	v2 =	vmul.f32 v2, v2;
	_ =	sdelay $0x1  }
0x2d: {  	[tilespmem:s23+$0x2900] =	vst v2;
	s23 =	smov.u32 s25  }
0x2e: {  	_ = 	snop  }
0x2f: {  	v0 =	vsub.f32 v0, v1;
	_ =	sdelay $0x1  }
0x30: {  	s22 =	sadd.s32 s4, s22;
	s21 =	sadd.s32 $0x1, s21;
	v0 =	vmul.f32 v0, v0  }
0x31: {  	s22 =	sshll.u32 s22, $0x1;
	p0 =	sne.s32 s21, $0x19  }
.Ltmp1:
0x32: {  	s22 =	sadd.s32 s5, s22;
	[tilespmem:s23+$0x2900] =	vst v0;
	(pc) =	sbr.rel @p0 .LBB2_2-.Ltmp1, $4  }
0x33: {  	[hbm4b:s22+s3] =	stream.linear.scatter [tilespmem:s19], [sflag:$0x3], $0x800, $0x38;
	[tilespmem:$0x5810] =	vst v63  }
0x34: {  	_ =	swait.ge [sflag:s12], $0x800  }
0x35: {  	[sflag:s12] =	ssyncset.done $0x0  }
0x36: {  	[sflag:s12] =	ssyncadd.s32 $0xFFFFF800  }
0x37: {  	s20 =	sadd.s32 $0x1, s20  }
0x38: {  	p0 =	sne.s32 s20, s10  }
.Ltmp2:
0x39: {  	_ = 	snop;
	(pc) =	sbr.rel @p0 .LBB2_1-.Ltmp2, $1  }
0x3a: {  	_ =	sdelay $0x3  }
0x3b: {  	_ =	sfence.sel $0x180000  }
0x3c: {  	[bflag:$0x0] =	sbarrier.arrive $0xFFFF  }
0x3d: {  	p0 =	sne.s32 s1, $0x0;
	_ =	strace $0x90000053  }
0x3e: {  	s0 =	sadd.s32 @!p0 $0x100000, s0;
	[bflag:$0x2] =	sbarrier.arrive $0xFFFF  }
0x3f: {  	[sflag:s0] =	ssyncadd.tile.s32 @!p0 $0x1;
	_ =	shalt  }
.Lfunc_end2:
_tile_overlayer_lowered:
.L_overlay_start_2:
0x40: {  	(tag) =	ssettag $0x2  }
0x41: {  	s0 =	rddreg [dreg:$0x0];
	s2 =	stileid.u32  }
0x42: {  	s1 =	rddreg [dreg:$0x1];
	p0 =	sne.s32 s2, $0x0  }
0x43: {  	s3 =	rddreg [dreg:$0x2];
	[bflag:$0x3] =	sbarrier.arrive $0xFFFF;
	s2 =	simm.s32 @!p0 $0x1C03  }
0x44: {  	[timem:s3], [sflag:s2] =	dma.local @!p0 [hbm:s0], s1  }
0x45: {  	s0 =	simm.s32 @!p0 $0x3  }
0x46: {  	_ =	swait.ge @!p0 [sflag:s0], s1  }
0x47: {  	s1 =	ssub.s32 @!p0 $0x0, s1;
	[sflag:s0] =	ssyncset.done @!p0 $0x0  }
0x48: {  	[sflag:s0] =	ssyncadd.s32 @!p0 s1  }
0x49: {  	[bflag:$0x3] =	sbarrier.arrive $0xFFFF  }
0x4a: {  	_ =	shalt  }

</sc_bundles>
